<compile_context>
chip_gen: v7x
topology: tpu7x:2x2x1
jax: 0.10.2.dev20260603
libtpu: 0.0.44.dev20260713+nightly
codegen_flags: <defaults>
</compile_context>

<pallas_src>
import functools

import jax
import jax.numpy as jnp
from jax import lax
from jax.experimental import pallas as pl
from jax.experimental.pallas import tpu as pltpu
from jax.experimental.pallas import tpu_sc as plsc

_CONST = 256
_L = 16
_NC = 2
_NS = 16
_NW = _NC * _NS


def _hsum_vec(v):
    iota = lax.iota(jnp.int32, _L)
    for k in (1, 2, 4, 8):
        v = v + jnp.take(v, lax.bitwise_xor(iota, jnp.int32(k)), mode="fill")
    return v


def _rsqrt_vec(a):
    i = lax.bitcast_convert_type(a, jnp.int32)
    i = jnp.int32(0x5F3759DF) - lax.shift_right_logical(i, 1)
    y = lax.bitcast_convert_type(i, jnp.float32)
    for _ in range(4):
        y = y * (1.5 - 0.5 * a * y * y)
    return y


def kernel(s, Cr, Ci):
    B, S = s.shape
    rows_per_w = B // _NW
    IB = 128
    n_blocks = rows_per_w // IB

    col_starts = [j * _L for j in range(S // _L)]
    if S % _L:
        col_starts.append(S - _L)

    mesh = plsc.VectorSubcoreMesh(
        core_axis_name="c", subcore_axis_name="s",
        num_cores=_NC, num_subcores=_NS)

    @functools.partial(
        pl.kernel,
        out_type=(jax.ShapeDtypeStruct((S, B), jnp.float32),
                  jax.ShapeDtypeStruct((S, B), jnp.float32)),
        mesh=mesh,
        compiler_params=pltpu.CompilerParams(
            needs_layout_passes=False, use_tc_tiling_on_sc=True),
        scratch_types=[
            pltpu.VMEM((_CONST,), jnp.float32),
            pltpu.VMEM((_CONST,), jnp.float32),
            pltpu.VMEM((IB, S), jnp.int32),
            pltpu.VMEM((IB * (S + 1),), jnp.int32),
            pltpu.VMEM((S, IB), jnp.float32),
            pltpu.VMEM((S, IB), jnp.float32),
        ],
    )
    def gs_kernel(s_hbm, cr_hbm, ci_hbm, re_hbm, im_hbm,
                  crt, cit, idxv, idx1, rev, imv):
        pltpu.sync_copy(cr_hbm, crt)
        pltpu.sync_copy(ci_hbm, cit)

        zero = jnp.zeros((_L,), jnp.float32)

        def acc_body(i, acc):
            ar, ai = acc
            return (ar + crt[pl.ds(i * _L, _L)], ai + cit[pl.ds(i * _L, _L)])
        ar, ai = lax.fori_loop(0, _CONST // _L, acc_body, (zero, zero))
        mr_v = _hsum_vec(ar) * (1.0 / _CONST)
        mi_v = _hsum_vec(ai) * (1.0 / _CONST)

        def en_body(i, acc):
            dr = crt[pl.ds(i * _L, _L)] - mr_v
            di = cit[pl.ds(i * _L, _L)] - mi_v
            return acc + dr * dr + di * di
        en_acc = lax.fori_loop(0, _CONST // _L, en_body, zero)
        en_v = _hsum_vec(en_acc) * (1.0 / _CONST)
        scale = jnp.where(en_v > 0.0, _rsqrt_vec(en_v), 0.0)

        def norm_body(i, _):
            sl = pl.ds(i * _L, _L)
            crt[sl] = (crt[sl] - mr_v) * scale
            cit[sl] = (cit[sl] - mi_v) * scale
            return 0
        lax.fori_loop(0, _CONST // _L, norm_body, 0)

        wid = lax.axis_index("s") * _NC + lax.axis_index("c")
        row0 = wid * rows_per_w
        iota = lax.iota(jnp.int32, _L)
        SKEW = S + 1
        col_vecs = [j0 + iota for j0 in col_starts]
        gat_vecs = [(b * _L + iota) * SKEW for b in range(IB // _L)]

        def block_body(blk, _):
            r0 = row0 + blk * IB
            pltpu.sync_copy(s_hbm.at[pl.ds(r0, IB), :], idxv)

            @plsc.parallel_loop(0, IB, step=1, unroll=2)
            def repack_body(di):
                db = jnp.full((_L,), di * SKEW, jnp.int32)
                for j0, jv in zip(col_starts, col_vecs):
                    v = idxv[di, pl.ds(j0, _L)]
                    plsc.store_scatter(idx1, [db + jv], v)

            @plsc.parallel_loop(0, S, step=1, unroll=2)
            def col_body(j):
                jb = jnp.full((_L,), j, jnp.int32)
                for b, gv in enumerate(gat_vecs):
                    idx = plsc.load_gather(idx1, [gv + jb])
                    sl = pl.ds(b * _L, _L)
                    rev[j, sl] = plsc.load_gather(crt, [idx])
                    imv[j, sl] = plsc.load_gather(cit, [idx])

            pltpu.sync_copy(rev, re_hbm.at[:, pl.ds(r0, IB)])
            pltpu.sync_copy(imv, im_hbm.at[:, pl.ds(r0, IB)])
            return 0
        lax.fori_loop(0, n_blocks, block_body, 0)

    re_t, im_t = gs_kernel(s, Cr, Ci)
    re2 = re_t + im_t * 0.0
    im2 = im_t + re_t * 0.0
    return lax.complex(re2, im2).T

# --- scband reference (transcript-rebuilt; emitter-appended) ---
"""Pipeline reference for scband-gs-30889404792881 (READ-ONLY COPY).

The authoritative reference and input builder live on the scoring server;
editing this copy changes nothing except your own understanding.
"""

import jax, jax.numpy as jnp
import numpy as np

CONST_SIZE = 256  # 2 ** bit_per_cu, bit_per_cu = 8
BATCH = 16384
SEQ = 200


def setup_inputs(seed: int = 0) -> dict:
    key = jax.random.key(seed)
    k1, k2, k3 = jax.random.split(key, 3)
    s = jax.random.randint(k1, (BATCH, SEQ), 0, CONST_SIZE, dtype=jnp.int32)
    # learned constellation parameters (Cr, Ci), per build() with init_qam=False
    Cr = jax.random.normal(k2, (CONST_SIZE,), dtype=jnp.float32) * 0.05
    Ci = jax.random.normal(k3, (CONST_SIZE,), dtype=jnp.float32) * 0.05
    return {"s": s, "Cr": Cr, "Ci": Ci}


def _get_const(Cr, Ci):
    C = jax.lax.complex(Cr, Ci)
    C = C - jnp.mean(C)
    en_point = jnp.mean(jnp.square(jnp.real(C)) + jnp.square(jnp.imag(C)))
    denom = jnp.sqrt(en_point)
    # tf.math.divide_no_nan semantics: result is 0 where denominator is 0
    C = jnp.where(denom == 0.0, jnp.zeros_like(C), C / denom.astype(C.dtype))
    return C


def reference(s, Cr, Ci):
    # original: tile C to [batch, K] then tf.gather(C, s, batch_dims=1);
    # since C is identical across batch rows this is exactly a row gather C[s]
    C = _get_const(Cr, Ci)
    x = jnp.take(C, s, axis=0)
    return x

if __name__ == "__main__":
    import jax
    _d = setup_inputs()
    print(jax.jit(kernel)(*tuple(_d.values())))

</pallas_src>

<mosaic_0001>
#map = affine_map<(d0, d1) -> (0, 0)>
#map1 = affine_map<(d0, d1) -> (0)>
module attributes {stable_mosaic.version = 14 : i64} {
  func.func @gs_kernel(%arg0: i32, %arg1: i32, %arg2: memref<16384x200xi32, #tpu.memory_space<hbm>>, %arg3: memref<256xf32, #tpu.memory_space<hbm>>, %arg4: memref<256xf32, #tpu.memory_space<hbm>>, %arg5: memref<200x16384xf32, #tpu.memory_space<hbm>>, %arg6: memref<200x16384xf32, #tpu.memory_space<hbm>>, %arg7: memref<256xf32, #tpu.memory_space<vmem>>, %arg8: memref<256xf32, #tpu.memory_space<vmem>>, %arg9: memref<128x200xi32, #tpu.memory_space<vmem>>, %arg10: memref<25728xi32, #tpu.memory_space<vmem>>, %arg11: memref<200x128xf32, #tpu.memory_space<vmem>>, %arg12: memref<200x128xf32, #tpu.memory_space<vmem>>) attributes {dimension_semantics = [#tpu.dimension_semantics<core_parallel>, #tpu.dimension_semantics<subcore_parallel>], iteration_bounds = array<i64: 2, 16>, scalar_prefetch = 0 : i64, scratch_operands = 6 : i64, tpu.core_type = #tpu.core_type<sc_vector_subcore>, window_params = [{transform_indices = #map}, {transform_indices = #map1}, {transform_indices = #map1}, {transform_indices = #map}, {transform_indices = #map}]} {
    "tpu.region"() ({
      %run_scoped3A = tpu.sem_alloc : memref<!tpu.dma_semaphore, #tpu.memory_space<semaphore_mem>>
      tpu.enqueue_dma source(%arg3 : memref<256xf32, #tpu.memory_space<hbm>>) target(%arg7 : memref<256xf32, #tpu.memory_space<vmem>>) target_semaphore(%run_scoped3A : memref<!tpu.dma_semaphore, #tpu.memory_space<semaphore_mem>>)
      tpu.wait_dma2 semaphore(%run_scoped3A : memref<!tpu.dma_semaphore, #tpu.memory_space<semaphore_mem>>) src(%arg3 : memref<256xf32, #tpu.memory_space<hbm>>) dst(%arg7 : memref<256xf32, #tpu.memory_space<vmem>>)
      tpu.yield
    }) : () -> ()
    "tpu.region"() ({
      %run_scoped3A = tpu.sem_alloc : memref<!tpu.dma_semaphore, #tpu.memory_space<semaphore_mem>>
      tpu.enqueue_dma source(%arg4 : memref<256xf32, #tpu.memory_space<hbm>>) target(%arg8 : memref<256xf32, #tpu.memory_space<vmem>>) target_semaphore(%run_scoped3A : memref<!tpu.dma_semaphore, #tpu.memory_space<semaphore_mem>>)
      tpu.wait_dma2 semaphore(%run_scoped3A : memref<!tpu.dma_semaphore, #tpu.memory_space<semaphore_mem>>) src(%arg4 : memref<256xf32, #tpu.memory_space<hbm>>) dst(%arg8 : memref<256xf32, #tpu.memory_space<vmem>>)
      tpu.yield
    }) : () -> ()
    %broadcast_in_dim3A = arith.constant 0.000000e+00 : f32
    %broadcast_in_dim3A_0 = vector.broadcast %broadcast_in_dim3A : f32 to vector<16xf32>
    %scan3A = arith.constant 0 : i32
    %scan3A_1 = arith.constant 16 : i32
    %scan3A_2 = arith.addi %scan3A, %scan3A_1 : i32
    %scan3A_3 = arith.constant 1 : i32
    %scan3A_4:2 = scf.for %scan3A_337 = %scan3A to %scan3A_2 step %scan3A_3 iter_args(%scan3A_338 = %broadcast_in_dim3A_0, %scan3A_339 = %broadcast_in_dim3A_0) -> (vector<16xf32>, vector<16xf32>)  : i32 {
      %mul3A_340 = arith.constant 16 : i32
      %mul3A_341 = arith.muli %scan3A_337, %mul3A_340 : i32
      %get3A = arith.index_cast %mul3A_341 : i32 to index
      %get3A_342 = tpu.vector_load %arg7[%get3A] {strides = array<i32>} : memref<256xf32, #tpu.memory_space<vmem>>, vector<16xf32>,
      %add3A_343 = arith.addf %scan3A_338, %get3A_342 : vector<16xf32>
      %mul3A_344 = arith.constant 16 : i32
      %mul3A_345 = arith.muli %scan3A_337, %mul3A_344 : i32
      %get3A_346 = arith.index_cast %mul3A_345 : i32 to index
      %get3A_347 = tpu.vector_load %arg8[%get3A_346] {strides = array<i32>} : memref<256xf32, #tpu.memory_space<vmem>>, vector<16xf32>,
      %add3A_348 = arith.addf %scan3A_339, %get3A_347 : vector<16xf32>
      scf.yield %add3A_343, %add3A_348 : vector<16xf32>, vector<16xf32>
    }
    %scan3A_5 = arith.constant 16 : i32
    %iota3A = tpu.iota {dimensions = array<i32: 0>} : vector<16xi32>
    %xor3A = arith.constant 1 : i32
    %xor3A_6 = vector.broadcast %xor3A : i32 to vector<16xi32>
    %xor3A_7 = arith.xori %iota3A, %xor3A_6 : vector<16xi32>
    %lt3A = arith.constant 0 : i32
    %lt3A_8 = vector.broadcast %lt3A : i32 to vector<16xi32>
    %lt3A_9 = arith.cmpi slt, %xor3A_7, %lt3A_8 : vector<16xi32>
    %add3A = arith.constant 16 : i32
    %add3A_10 = vector.broadcast %add3A : i32 to vector<16xi32>
    %add3A_11 = arith.addi %xor3A_7, %add3A_10 : vector<16xi32>
    %select_n3A = arith.select %lt3A_9, %add3A_11, %xor3A_7 : vector<16xi1>, vector<16xi32>
    %broadcast_in_dim3A_12 = vector.shape_cast %select_n3A : vector<16xi32> to vector<16x1xi32>
    %gather3A = vector.shape_cast %broadcast_in_dim3A_12 : vector<16x1xi32> to vector<16xi32>
    %gather3A_13 = tpu.dynamic_gather %scan3A_4#0[%gather3A] in [0] : vector<16xf32>, vector<16xi32> -> vector<16xf32>
    %add3A_14 = arith.addf %scan3A_4#0, %gather3A_13 : vector<16xf32>
    %xor3A_15 = arith.constant 2 : i32
    %xor3A_16 = vector.broadcast %xor3A_15 : i32 to vector<16xi32>
    %xor3A_17 = arith.xori %iota3A, %xor3A_16 : vector<16xi32>
    %lt3A_18 = arith.constant 0 : i32
    %lt3A_19 = vector.broadcast %lt3A_18 : i32 to vector<16xi32>
    %lt3A_20 = arith.cmpi slt, %xor3A_17, %lt3A_19 : vector<16xi32>
    %add3A_21 = arith.constant 16 : i32
    %add3A_22 = vector.broadcast %add3A_21 : i32 to vector<16xi32>
    %add3A_23 = arith.addi %xor3A_17, %add3A_22 : vector<16xi32>
    %select_n3A_24 = arith.select %lt3A_20, %add3A_23, %xor3A_17 : vector<16xi1>, vector<16xi32>
    %broadcast_in_dim3A_25 = vector.shape_cast %select_n3A_24 : vector<16xi32> to vector<16x1xi32>
    %gather3A_26 = vector.shape_cast %broadcast_in_dim3A_25 : vector<16x1xi32> to vector<16xi32>
    %gather3A_27 = tpu.dynamic_gather %add3A_14[%gather3A_26] in [0] : vector<16xf32>, vector<16xi32> -> vector<16xf32>
    %add3A_28 = arith.addf %add3A_14, %gather3A_27 : vector<16xf32>
    %xor3A_29 = arith.constant 4 : i32
    %xor3A_30 = vector.broadcast %xor3A_29 : i32 to vector<16xi32>
    %xor3A_31 = arith.xori %iota3A, %xor3A_30 : vector<16xi32>
    %lt3A_32 = arith.constant 0 : i32
    %lt3A_33 = vector.broadcast %lt3A_32 : i32 to vector<16xi32>
    %lt3A_34 = arith.cmpi slt, %xor3A_31, %lt3A_33 : vector<16xi32>
    %add3A_35 = arith.constant 16 : i32
    %add3A_36 = vector.broadcast %add3A_35 : i32 to vector<16xi32>
    %add3A_37 = arith.addi %xor3A_31, %add3A_36 : vector<16xi32>
    %select_n3A_38 = arith.select %lt3A_34, %add3A_37, %xor3A_31 : vector<16xi1>, vector<16xi32>
    %broadcast_in_dim3A_39 = vector.shape_cast %select_n3A_38 : vector<16xi32> to vector<16x1xi32>
    %gather3A_40 = vector.shape_cast %broadcast_in_dim3A_39 : vector<16x1xi32> to vector<16xi32>
    %gather3A_41 = tpu.dynamic_gather %add3A_28[%gather3A_40] in [0] : vector<16xf32>, vector<16xi32> -> vector<16xf32>
    %add3A_42 = arith.addf %add3A_28, %gather3A_41 : vector<16xf32>
    %xor3A_43 = arith.constant 8 : i32
    %xor3A_44 = vector.broadcast %xor3A_43 : i32 to vector<16xi32>
    %xor3A_45 = arith.xori %iota3A, %xor3A_44 : vector<16xi32>
    %lt3A_46 = arith.constant 0 : i32
    %lt3A_47 = vector.broadcast %lt3A_46 : i32 to vector<16xi32>
    %lt3A_48 = arith.cmpi slt, %xor3A_45, %lt3A_47 : vector<16xi32>
    %add3A_49 = arith.constant 16 : i32
    %add3A_50 = vector.broadcast %add3A_49 : i32 to vector<16xi32>
    %add3A_51 = arith.addi %xor3A_45, %add3A_50 : vector<16xi32>
    %select_n3A_52 = arith.select %lt3A_48, %add3A_51, %xor3A_45 : vector<16xi1>, vector<16xi32>
    %broadcast_in_dim3A_53 = vector.shape_cast %select_n3A_52 : vector<16xi32> to vector<16x1xi32>
    %gather3A_54 = vector.shape_cast %broadcast_in_dim3A_53 : vector<16x1xi32> to vector<16xi32>
    %gather3A_55 = tpu.dynamic_gather %add3A_42[%gather3A_54] in [0] : vector<16xf32>, vector<16xi32> -> vector<16xf32>
    %add3A_56 = arith.addf %add3A_42, %gather3A_55 : vector<16xf32>
    %mul3A = arith.constant 3.906250e-03 : f32
    %mul3A_57 = vector.broadcast %mul3A : f32 to vector<16xf32>
    %mul3A_58 = arith.mulf %add3A_56, %mul3A_57 : vector<16xf32>
    %iota3A_59 = tpu.iota {dimensions = array<i32: 0>} : vector<16xi32>
    %xor3A_60 = arith.constant 1 : i32
    %xor3A_61 = vector.broadcast %xor3A_60 : i32 to vector<16xi32>
    %xor3A_62 = arith.xori %iota3A_59, %xor3A_61 : vector<16xi32>
    %lt3A_63 = arith.constant 0 : i32
    %lt3A_64 = vector.broadcast %lt3A_63 : i32 to vector<16xi32>
    %lt3A_65 = arith.cmpi slt, %xor3A_62, %lt3A_64 : vector<16xi32>
    %add3A_66 = arith.constant 16 : i32
    %add3A_67 = vector.broadcast %add3A_66 : i32 to vector<16xi32>
    %add3A_68 = arith.addi %xor3A_62, %add3A_67 : vector<16xi32>
    %select_n3A_69 = arith.select %lt3A_65, %add3A_68, %xor3A_62 : vector<16xi1>, vector<16xi32>
    %broadcast_in_dim3A_70 = vector.shape_cast %select_n3A_69 : vector<16xi32> to vector<16x1xi32>
    %gather3A_71 = vector.shape_cast %broadcast_in_dim3A_70 : vector<16x1xi32> to vector<16xi32>
    %gather3A_72 = tpu.dynamic_gather %scan3A_4#1[%gather3A_71] in [0] : vector<16xf32>, vector<16xi32> -> vector<16xf32>
    %add3A_73 = arith.addf %scan3A_4#1, %gather3A_72 : vector<16xf32>
    %xor3A_74 = arith.constant 2 : i32
    %xor3A_75 = vector.broadcast %xor3A_74 : i32 to vector<16xi32>
    %xor3A_76 = arith.xori %iota3A_59, %xor3A_75 : vector<16xi32>
    %lt3A_77 = arith.constant 0 : i32
    %lt3A_78 = vector.broadcast %lt3A_77 : i32 to vector<16xi32>
    %lt3A_79 = arith.cmpi slt, %xor3A_76, %lt3A_78 : vector<16xi32>
    %add3A_80 = arith.constant 16 : i32
    %add3A_81 = vector.broadcast %add3A_80 : i32 to vector<16xi32>
    %add3A_82 = arith.addi %xor3A_76, %add3A_81 : vector<16xi32>
    %select_n3A_83 = arith.select %lt3A_79, %add3A_82, %xor3A_76 : vector<16xi1>, vector<16xi32>
    %broadcast_in_dim3A_84 = vector.shape_cast %select_n3A_83 : vector<16xi32> to vector<16x1xi32>
    %gather3A_85 = vector.shape_cast %broadcast_in_dim3A_84 : vector<16x1xi32> to vector<16xi32>
    %gather3A_86 = tpu.dynamic_gather %add3A_73[%gather3A_85] in [0] : vector<16xf32>, vector<16xi32> -> vector<16xf32>
    %add3A_87 = arith.addf %add3A_73, %gather3A_86 : vector<16xf32>
    %xor3A_88 = arith.constant 4 : i32
    %xor3A_89 = vector.broadcast %xor3A_88 : i32 to vector<16xi32>
    %xor3A_90 = arith.xori %iota3A_59, %xor3A_89 : vector<16xi32>
    %lt3A_91 = arith.constant 0 : i32
    %lt3A_92 = vector.broadcast %lt3A_91 : i32 to vector<16xi32>
    %lt3A_93 = arith.cmpi slt, %xor3A_90, %lt3A_92 : vector<16xi32>
    %add3A_94 = arith.constant 16 : i32
    %add3A_95 = vector.broadcast %add3A_94 : i32 to vector<16xi32>
    %add3A_96 = arith.addi %xor3A_90, %add3A_95 : vector<16xi32>
    %select_n3A_97 = arith.select %lt3A_93, %add3A_96, %xor3A_90 : vector<16xi1>, vector<16xi32>
    %broadcast_in_dim3A_98 = vector.shape_cast %select_n3A_97 : vector<16xi32> to vector<16x1xi32>
    %gather3A_99 = vector.shape_cast %broadcast_in_dim3A_98 : vector<16x1xi32> to vector<16xi32>
    %gather3A_100 = tpu.dynamic_gather %add3A_87[%gather3A_99] in [0] : vector<16xf32>, vector<16xi32> -> vector<16xf32>
    %add3A_101 = arith.addf %add3A_87, %gather3A_100 : vector<16xf32>
    %xor3A_102 = arith.constant 8 : i32
    %xor3A_103 = vector.broadcast %xor3A_102 : i32 to vector<16xi32>
    %xor3A_104 = arith.xori %iota3A_59, %xor3A_103 : vector<16xi32>
    %lt3A_105 = arith.constant 0 : i32
    %lt3A_106 = vector.broadcast %lt3A_105 : i32 to vector<16xi32>
    %lt3A_107 = arith.cmpi slt, %xor3A_104, %lt3A_106 : vector<16xi32>
    %add3A_108 = arith.constant 16 : i32
    %add3A_109 = vector.broadcast %add3A_108 : i32 to vector<16xi32>
    %add3A_110 = arith.addi %xor3A_104, %add3A_109 : vector<16xi32>
    %select_n3A_111 = arith.select %lt3A_107, %add3A_110, %xor3A_104 : vector<16xi1>, vector<16xi32>
    %broadcast_in_dim3A_112 = vector.shape_cast %select_n3A_111 : vector<16xi32> to vector<16x1xi32>
    %gather3A_113 = vector.shape_cast %broadcast_in_dim3A_112 : vector<16x1xi32> to vector<16xi32>
    %gather3A_114 = tpu.dynamic_gather %add3A_101[%gather3A_113] in [0] : vector<16xf32>, vector<16xi32> -> vector<16xf32>
    %add3A_115 = arith.addf %add3A_101, %gather3A_114 : vector<16xf32>
    %mul3A_116 = arith.constant 3.906250e-03 : f32
    %mul3A_117 = vector.broadcast %mul3A_116 : f32 to vector<16xf32>
    %mul3A_118 = arith.mulf %add3A_115, %mul3A_117 : vector<16xf32>
    %scan3A_119 = arith.constant 0 : i32
    %scan3A_120 = arith.constant 16 : i32
    %scan3A_121 = arith.addi %scan3A_119, %scan3A_120 : i32
    %scan3A_122 = arith.constant 1 : i32
    %scan3A_123 = scf.for %scan3A_337 = %scan3A_119 to %scan3A_121 step %scan3A_122 iter_args(%scan3A_338 = %broadcast_in_dim3A_0) -> (vector<16xf32>)  : i32 {
      %mul3A_339 = arith.constant 16 : i32
      %mul3A_340 = arith.muli %scan3A_337, %mul3A_339 : i32
      %get3A = arith.index_cast %mul3A_340 : i32 to index
      %get3A_341 = tpu.vector_load %arg7[%get3A] {strides = array<i32>} : memref<256xf32, #tpu.memory_space<vmem>>, vector<16xf32>,
      %sub3A_342 = arith.subf %get3A_341, %mul3A_58 : vector<16xf32>
      %mul3A_343 = arith.constant 16 : i32
      %mul3A_344 = arith.muli %scan3A_337, %mul3A_343 : i32
      %get3A_345 = arith.index_cast %mul3A_344 : i32 to index
      %get3A_346 = tpu.vector_load %arg8[%get3A_345] {strides = array<i32>} : memref<256xf32, #tpu.memory_space<vmem>>, vector<16xf32>,
      %sub3A_347 = arith.subf %get3A_346, %mul3A_118 : vector<16xf32>
      %mul3A_348 = arith.mulf %sub3A_342, %sub3A_342 : vector<16xf32>
      %add3A_349 = arith.addf %scan3A_338, %mul3A_348 : vector<16xf32>
      %mul3A_350 = arith.mulf %sub3A_347, %sub3A_347 : vector<16xf32>
      %add3A_351 = arith.addf %add3A_349, %mul3A_350 : vector<16xf32>
      scf.yield %add3A_351 : vector<16xf32>
    }
    %scan3A_124 = arith.constant 16 : i32
    %iota3A_125 = tpu.iota {dimensions = array<i32: 0>} : vector<16xi32>
    %xor3A_126 = arith.constant 1 : i32
    %xor3A_127 = vector.broadcast %xor3A_126 : i32 to vector<16xi32>
    %xor3A_128 = arith.xori %iota3A_125, %xor3A_127 : vector<16xi32>
    %lt3A_129 = arith.constant 0 : i32
    %lt3A_130 = vector.broadcast %lt3A_129 : i32 to vector<16xi32>
    %lt3A_131 = arith.cmpi slt, %xor3A_128, %lt3A_130 : vector<16xi32>
    %add3A_132 = arith.constant 16 : i32
    %add3A_133 = vector.broadcast %add3A_132 : i32 to vector<16xi32>
    %add3A_134 = arith.addi %xor3A_128, %add3A_133 : vector<16xi32>
    %select_n3A_135 = arith.select %lt3A_131, %add3A_134, %xor3A_128 : vector<16xi1>, vector<16xi32>
    %broadcast_in_dim3A_136 = vector.shape_cast %select_n3A_135 : vector<16xi32> to vector<16x1xi32>
    %gather3A_137 = vector.shape_cast %broadcast_in_dim3A_136 : vector<16x1xi32> to vector<16xi32>
    %gather3A_138 = tpu.dynamic_gather %scan3A_123[%gather3A_137] in [0] : vector<16xf32>, vector<16xi32> -> vector<16xf32>
    %add3A_139 = arith.addf %scan3A_123, %gather3A_138 : vector<16xf32>
    %xor3A_140 = arith.constant 2 : i32
    %xor3A_141 = vector.broadcast %xor3A_140 : i32 to vector<16xi32>
    %xor3A_142 = arith.xori %iota3A_125, %xor3A_141 : vector<16xi32>
    %lt3A_143 = arith.constant 0 : i32
    %lt3A_144 = vector.broadcast %lt3A_143 : i32 to vector<16xi32>
    %lt3A_145 = arith.cmpi slt, %xor3A_142, %lt3A_144 : vector<16xi32>
    %add3A_146 = arith.constant 16 : i32
    %add3A_147 = vector.broadcast %add3A_146 : i32 to vector<16xi32>
    %add3A_148 = arith.addi %xor3A_142, %add3A_147 : vector<16xi32>
    %select_n3A_149 = arith.select %lt3A_145, %add3A_148, %xor3A_142 : vector<16xi1>, vector<16xi32>
    %broadcast_in_dim3A_150 = vector.shape_cast %select_n3A_149 : vector<16xi32> to vector<16x1xi32>
    %gather3A_151 = vector.shape_cast %broadcast_in_dim3A_150 : vector<16x1xi32> to vector<16xi32>
    %gather3A_152 = tpu.dynamic_gather %add3A_139[%gather3A_151] in [0] : vector<16xf32>, vector<16xi32> -> vector<16xf32>
    %add3A_153 = arith.addf %add3A_139, %gather3A_152 : vector<16xf32>
    %xor3A_154 = arith.constant 4 : i32
    %xor3A_155 = vector.broadcast %xor3A_154 : i32 to vector<16xi32>
    %xor3A_156 = arith.xori %iota3A_125, %xor3A_155 : vector<16xi32>
    %lt3A_157 = arith.constant 0 : i32
    %lt3A_158 = vector.broadcast %lt3A_157 : i32 to vector<16xi32>
    %lt3A_159 = arith.cmpi slt, %xor3A_156, %lt3A_158 : vector<16xi32>
    %add3A_160 = arith.constant 16 : i32
    %add3A_161 = vector.broadcast %add3A_160 : i32 to vector<16xi32>
    %add3A_162 = arith.addi %xor3A_156, %add3A_161 : vector<16xi32>
    %select_n3A_163 = arith.select %lt3A_159, %add3A_162, %xor3A_156 : vector<16xi1>, vector<16xi32>
    %broadcast_in_dim3A_164 = vector.shape_cast %select_n3A_163 : vector<16xi32> to vector<16x1xi32>
    %gather3A_165 = vector.shape_cast %broadcast_in_dim3A_164 : vector<16x1xi32> to vector<16xi32>
    %gather3A_166 = tpu.dynamic_gather %add3A_153[%gather3A_165] in [0] : vector<16xf32>, vector<16xi32> -> vector<16xf32>
    %add3A_167 = arith.addf %add3A_153, %gather3A_166 : vector<16xf32>
    %xor3A_168 = arith.constant 8 : i32
    %xor3A_169 = vector.broadcast %xor3A_168 : i32 to vector<16xi32>
    %xor3A_170 = arith.xori %iota3A_125, %xor3A_169 : vector<16xi32>
    %lt3A_171 = arith.constant 0 : i32
    %lt3A_172 = vector.broadcast %lt3A_171 : i32 to vector<16xi32>
    %lt3A_173 = arith.cmpi slt, %xor3A_170, %lt3A_172 : vector<16xi32>
    %add3A_174 = arith.constant 16 : i32
    %add3A_175 = vector.broadcast %add3A_174 : i32 to vector<16xi32>
    %add3A_176 = arith.addi %xor3A_170, %add3A_175 : vector<16xi32>
    %select_n3A_177 = arith.select %lt3A_173, %add3A_176, %xor3A_170 : vector<16xi1>, vector<16xi32>
    %broadcast_in_dim3A_178 = vector.shape_cast %select_n3A_177 : vector<16xi32> to vector<16x1xi32>
    %gather3A_179 = vector.shape_cast %broadcast_in_dim3A_178 : vector<16x1xi32> to vector<16xi32>
    %gather3A_180 = tpu.dynamic_gather %add3A_167[%gather3A_179] in [0] : vector<16xf32>, vector<16xi32> -> vector<16xf32>
    %add3A_181 = arith.addf %add3A_167, %gather3A_180 : vector<16xf32>
    %mul3A_182 = arith.constant 3.906250e-03 : f32
    %mul3A_183 = vector.broadcast %mul3A_182 : f32 to vector<16xf32>
    %mul3A_184 = arith.mulf %add3A_181, %mul3A_183 : vector<16xf32>
    %gt3A = arith.constant 0.000000e+00 : f32
    %gt3A_185 = vector.broadcast %gt3A : f32 to vector<16xf32>
    %gt3A_186 = arith.cmpf ogt, %mul3A_184, %gt3A_185 : vector<16xf32>
    %bitcast_convert_type3A = tpu.bitcast %mul3A_184 : vector<16xf32> -> vector<16xi32>
    %shift_right_logical3A = arith.constant 1 : i32
    %shift_right_logical3A_187 = vector.broadcast %shift_right_logical3A : i32 to vector<16xi32>
    %shift_right_logical3A_188 = arith.shrui %bitcast_convert_type3A, %shift_right_logical3A_187 : vector<16xi32>
    %sub3A = arith.constant 1597463007 : i32
    %sub3A_189 = vector.broadcast %sub3A : i32 to vector<16xi32>
    %sub3A_190 = arith.subi %sub3A_189, %shift_right_logical3A_188 : vector<16xi32>
    %bitcast_convert_type3A_191 = tpu.bitcast %sub3A_190 : vector<16xi32> -> vector<16xf32>
    %mul3A_192 = arith.constant 5.000000e-01 : f32
    %mul3A_193 = vector.broadcast %mul3A_192 : f32 to vector<16xf32>
    %mul3A_194 = arith.mulf %mul3A_193, %mul3A_184 : vector<16xf32>
    %mul3A_195 = arith.mulf %mul3A_194, %bitcast_convert_type3A_191 : vector<16xf32>
    %mul3A_196 = arith.mulf %mul3A_195, %bitcast_convert_type3A_191 : vector<16xf32>
    %sub3A_197 = arith.constant 1.500000e+00 : f32
    %sub3A_198 = vector.broadcast %sub3A_197 : f32 to vector<16xf32>
    %sub3A_199 = arith.subf %sub3A_198, %mul3A_196 : vector<16xf32>
    %mul3A_200 = arith.mulf %bitcast_convert_type3A_191, %sub3A_199 : vector<16xf32>
    %mul3A_201 = arith.constant 5.000000e-01 : f32
    %mul3A_202 = vector.broadcast %mul3A_201 : f32 to vector<16xf32>
    %mul3A_203 = arith.mulf %mul3A_202, %mul3A_184 : vector<16xf32>
    %mul3A_204 = arith.mulf %mul3A_203, %mul3A_200 : vector<16xf32>
    %mul3A_205 = arith.mulf %mul3A_204, %mul3A_200 : vector<16xf32>
    %sub3A_206 = arith.constant 1.500000e+00 : f32
    %sub3A_207 = vector.broadcast %sub3A_206 : f32 to vector<16xf32>
    %sub3A_208 = arith.subf %sub3A_207, %mul3A_205 : vector<16xf32>
    %mul3A_209 = arith.mulf %mul3A_200, %sub3A_208 : vector<16xf32>
    %mul3A_210 = arith.constant 5.000000e-01 : f32
    %mul3A_211 = vector.broadcast %mul3A_210 : f32 to vector<16xf32>
    %mul3A_212 = arith.mulf %mul3A_211, %mul3A_184 : vector<16xf32>
    %mul3A_213 = arith.mulf %mul3A_212, %mul3A_209 : vector<16xf32>
    %mul3A_214 = arith.mulf %mul3A_213, %mul3A_209 : vector<16xf32>
    %sub3A_215 = arith.constant 1.500000e+00 : f32
    %sub3A_216 = vector.broadcast %sub3A_215 : f32 to vector<16xf32>
    %sub3A_217 = arith.subf %sub3A_216, %mul3A_214 : vector<16xf32>
    %mul3A_218 = arith.mulf %mul3A_209, %sub3A_217 : vector<16xf32>
    %mul3A_219 = arith.constant 5.000000e-01 : f32
    %mul3A_220 = vector.broadcast %mul3A_219 : f32 to vector<16xf32>
    %mul3A_221 = arith.mulf %mul3A_220, %mul3A_184 : vector<16xf32>
    %mul3A_222 = arith.mulf %mul3A_221, %mul3A_218 : vector<16xf32>
    %mul3A_223 = arith.mulf %mul3A_222, %mul3A_218 : vector<16xf32>
    %sub3A_224 = arith.constant 1.500000e+00 : f32
    %sub3A_225 = vector.broadcast %sub3A_224 : f32 to vector<16xf32>
    %sub3A_226 = arith.subf %sub3A_225, %mul3A_223 : vector<16xf32>
    %mul3A_227 = arith.mulf %mul3A_218, %sub3A_226 : vector<16xf32>
    %jit3A = arith.constant 0.000000e+00 : f32
    %broadcast_in_dim3A_228 = vector.broadcast %jit3A : f32 to vector<16xf32>
    %select_n3A_229 = arith.select %gt3A_186, %mul3A_227, %broadcast_in_dim3A_228 : vector<16xi1>, vector<16xf32>
    %scan3A_230 = arith.constant 0 : i32
    %scan3A_231 = arith.constant 0 : i32
    %scan3A_232 = arith.constant 16 : i32
    %scan3A_233 = arith.addi %scan3A_231, %scan3A_232 : i32
    %scan3A_234 = arith.constant 1 : i32
    %scan3A_235 = scf.for %scan3A_337 = %scan3A_231 to %scan3A_233 step %scan3A_234 iter_args(%scan3A_338 = %scan3A_230) -> (i32)  : i32 {
      %mul3A_339 = arith.constant 16 : i32
      %mul3A_340 = arith.muli %scan3A_337, %mul3A_339 : i32
      %get3A = arith.index_cast %mul3A_340 : i32 to index
      %get3A_341 = tpu.vector_load %arg7[%get3A] {strides = array<i32>} : memref<256xf32, #tpu.memory_space<vmem>>, vector<16xf32>,
      %sub3A_342 = arith.subf %get3A_341, %mul3A_58 : vector<16xf32>
      %mul3A_343 = arith.mulf %sub3A_342, %select_n3A_229 : vector<16xf32>
      %swap3A = arith.index_cast %mul3A_340 : i32 to index
      %swap3A_344 = tpu.vector_load %arg7[%swap3A] {strides = array<i32>} : memref<256xf32, #tpu.memory_space<vmem>>, vector<16xf32>,
      tpu.vector_store %arg7[%swap3A], %mul3A_343 {strides = array<i32>} : memref<256xf32, #tpu.memory_space<vmem>>, vector<16xf32>,
      %get3A_345 = arith.index_cast %mul3A_340 : i32 to index
      %get3A_346 = tpu.vector_load %arg8[%get3A_345] {strides = array<i32>} : memref<256xf32, #tpu.memory_space<vmem>>, vector<16xf32>,
      %sub3A_347 = arith.subf %get3A_346, %mul3A_118 : vector<16xf32>
      %mul3A_348 = arith.mulf %sub3A_347, %select_n3A_229 : vector<16xf32>
      %swap3A_349 = arith.index_cast %mul3A_340 : i32 to index
      %swap3A_350 = tpu.vector_load %arg8[%swap3A_349] {strides = array<i32>} : memref<256xf32, #tpu.memory_space<vmem>>, vector<16xf32>,
      tpu.vector_store %arg8[%swap3A_349], %mul3A_348 {strides = array<i32>} : memref<256xf32, #tpu.memory_space<vmem>>, vector<16xf32>,
      %scan3A_351 = arith.constant 0 : i32
      scf.yield %scan3A_351 : i32
    }
    %scan3A_236 = arith.constant 16 : i32
    %mul3A_237 = arith.constant 2 : i32
    %mul3A_238 = arith.muli %arg1, %mul3A_237 : i32
    %add3A_239 = arith.addi %mul3A_238, %arg0 : i32
    %mul3A_240 = arith.constant 512 : i32
    %mul3A_241 = arith.muli %add3A_239, %mul3A_240 : i32
    %iota3A_242 = tpu.iota {dimensions = array<i32: 0>} : vector<16xi32>
    %add3A_243 = arith.constant 0 : i32
    %add3A_244 = vector.broadcast %add3A_243 : i32 to vector<16xi32>
    %add3A_245 = arith.addi %add3A_244, %iota3A_242 : vector<16xi32>
    %add3A_246 = arith.constant 16 : i32
    %add3A_247 = vector.broadcast %add3A_246 : i32 to vector<16xi32>
    %add3A_248 = arith.addi %add3A_247, %iota3A_242 : vector<16xi32>
    %add3A_249 = arith.constant 32 : i32
    %add3A_250 = vector.broadcast %add3A_249 : i32 to vector<16xi32>
    %add3A_251 = arith.addi %add3A_250, %iota3A_242 : vector<16xi32>
    %add3A_252 = arith.constant 48 : i32
    %add3A_253 = vector.broadcast %add3A_252 : i32 to vector<16xi32>
    %add3A_254 = arith.addi %add3A_253, %iota3A_242 : vector<16xi32>
    %add3A_255 = arith.constant 64 : i32
    %add3A_256 = vector.broadcast %add3A_255 : i32 to vector<16xi32>
    %add3A_257 = arith.addi %add3A_256, %iota3A_242 : vector<16xi32>
    %add3A_258 = arith.constant 80 : i32
    %add3A_259 = vector.broadcast %add3A_258 : i32 to vector<16xi32>
    %add3A_260 = arith.addi %add3A_259, %iota3A_242 : vector<16xi32>
    %add3A_261 = arith.constant 96 : i32
    %add3A_262 = vector.broadcast %add3A_261 : i32 to vector<16xi32>
    %add3A_263 = arith.addi %add3A_262, %iota3A_242 : vector<16xi32>
    %add3A_264 = arith.constant 112 : i32
    %add3A_265 = vector.broadcast %add3A_264 : i32 to vector<16xi32>
    %add3A_266 = arith.addi %add3A_265, %iota3A_242 : vector<16xi32>
    %add3A_267 = arith.constant 128 : i32
    %add3A_268 = vector.broadcast %add3A_267 : i32 to vector<16xi32>
    %add3A_269 = arith.addi %add3A_268, %iota3A_242 : vector<16xi32>
    %add3A_270 = arith.constant 144 : i32
    %add3A_271 = vector.broadcast %add3A_270 : i32 to vector<16xi32>
    %add3A_272 = arith.addi %add3A_271, %iota3A_242 : vector<16xi32>
    %add3A_273 = arith.constant 160 : i32
    %add3A_274 = vector.broadcast %add3A_273 : i32 to vector<16xi32>
    %add3A_275 = arith.addi %add3A_274, %iota3A_242 : vector<16xi32>
    %add3A_276 = arith.constant 176 : i32
    %add3A_277 = vector.broadcast %add3A_276 : i32 to vector<16xi32>
    %add3A_278 = arith.addi %add3A_277, %iota3A_242 : vector<16xi32>
    %add3A_279 = arith.constant 184 : i32
    %add3A_280 = vector.broadcast %add3A_279 : i32 to vector<16xi32>
    %add3A_281 = arith.addi %add3A_280, %iota3A_242 : vector<16xi32>
    %add3A_282 = arith.constant 0 : i32
    %add3A_283 = vector.broadcast %add3A_282 : i32 to vector<16xi32>
    %add3A_284 = arith.addi %add3A_283, %iota3A_242 : vector<16xi32>
    %mul3A_285 = arith.constant 201 : i32
    %mul3A_286 = vector.broadcast %mul3A_285 : i32 to vector<16xi32>
    %mul3A_287 = arith.muli %add3A_284, %mul3A_286 : vector<16xi32>
    %add3A_288 = arith.constant 16 : i32
    %add3A_289 = vector.broadcast %add3A_288 : i32 to vector<16xi32>
    %add3A_290 = arith.addi %add3A_289, %iota3A_242 : vector<16xi32>
    %mul3A_291 = arith.constant 201 : i32
    %mul3A_292 = vector.broadcast %mul3A_291 : i32 to vector<16xi32>
    %mul3A_293 = arith.muli %add3A_290, %mul3A_292 : vector<16xi32>
    %add3A_294 = arith.constant 32 : i32
    %add3A_295 = vector.broadcast %add3A_294 : i32 to vector<16xi32>
    %add3A_296 = arith.addi %add3A_295, %iota3A_242 : vector<16xi32>
    %mul3A_297 = arith.constant 201 : i32
    %mul3A_298 = vector.broadcast %mul3A_297 : i32 to vector<16xi32>
    %mul3A_299 = arith.muli %add3A_296, %mul3A_298 : vector<16xi32>
    %add3A_300 = arith.constant 48 : i32
    %add3A_301 = vector.broadcast %add3A_300 : i32 to vector<16xi32>
    %add3A_302 = arith.addi %add3A_301, %iota3A_242 : vector<16xi32>
    %mul3A_303 = arith.constant 201 : i32
    %mul3A_304 = vector.broadcast %mul3A_303 : i32 to vector<16xi32>
    %mul3A_305 = arith.muli %add3A_302, %mul3A_304 : vector<16xi32>
    %add3A_306 = arith.constant 64 : i32
    %add3A_307 = vector.broadcast %add3A_306 : i32 to vector<16xi32>
    %add3A_308 = arith.addi %add3A_307, %iota3A_242 : vector<16xi32>
    %mul3A_309 = arith.constant 201 : i32
    %mul3A_310 = vector.broadcast %mul3A_309 : i32 to vector<16xi32>
    %mul3A_311 = arith.muli %add3A_308, %mul3A_310 : vector<16xi32>
    %add3A_312 = arith.constant 80 : i32
    %add3A_313 = vector.broadcast %add3A_312 : i32 to vector<16xi32>
    %add3A_314 = arith.addi %add3A_313, %iota3A_242 : vector<16xi32>
    %mul3A_315 = arith.constant 201 : i32
    %mul3A_316 = vector.broadcast %mul3A_315 : i32 to vector<16xi32>
    %mul3A_317 = arith.muli %add3A_314, %mul3A_316 : vector<16xi32>
    %add3A_318 = arith.constant 96 : i32
    %add3A_319 = vector.broadcast %add3A_318 : i32 to vector<16xi32>
    %add3A_320 = arith.addi %add3A_319, %iota3A_242 : vector<16xi32>
    %mul3A_321 = arith.constant 201 : i32
    %mul3A_322 = vector.broadcast %mul3A_321 : i32 to vector<16xi32>
    %mul3A_323 = arith.muli %add3A_320, %mul3A_322 : vector<16xi32>
    %add3A_324 = arith.constant 112 : i32
    %add3A_325 = vector.broadcast %add3A_324 : i32 to vector<16xi32>
    %add3A_326 = arith.addi %add3A_325, %iota3A_242 : vector<16xi32>
    %mul3A_327 = arith.constant 201 : i32
    %mul3A_328 = vector.broadcast %mul3A_327 : i32 to vector<16xi32>
    %mul3A_329 = arith.muli %add3A_326, %mul3A_328 : vector<16xi32>
    %scan3A_330 = arith.constant 0 : i32
    %scan3A_331 = arith.constant 0 : i32
    %scan3A_332 = arith.constant 4 : i32
    %scan3A_333 = arith.addi %scan3A_331, %scan3A_332 : i32
    %scan3A_334 = arith.constant 1 : i32
    %scan3A_335 = scf.for %scan3A_337 = %scan3A_331 to %scan3A_333 step %scan3A_334 iter_args(%scan3A_338 = %scan3A_330) -> (i32)  : i32 {
      %mul3A_339 = arith.constant 128 : i32
      %mul3A_340 = arith.muli %scan3A_337, %mul3A_339 : i32
      %add3A_341 = arith.addi %mul3A_241, %mul3A_340 : i32
      "tpu.region"() ({
        %run_scoped3A = tpu.sem_alloc : memref<!tpu.dma_semaphore, #tpu.memory_space<semaphore_mem>>
        %dma_start3A = arith.constant 0 : i32
        %dma_start3A_348 = tpu.memref_slice %arg2[%add3A_341, %dma_start3A] : memref<16384x200xi32, #tpu.memory_space<hbm>> -> memref<128x200xi32, #tpu.memory_space<hbm>>
        %dma_start3A_349 = arith.constant 0 : i32
        %dma_start3A_350 = tpu.memref_slice %arg2[%add3A_341, %dma_start3A_349] : memref<16384x200xi32, #tpu.memory_space<hbm>> -> memref<128x200xi32, #tpu.memory_space<hbm>>
        tpu.enqueue_dma source(%dma_start3A_350 : memref<128x200xi32, #tpu.memory_space<hbm>>) target(%arg9 : memref<128x200xi32, #tpu.memory_space<vmem>>) target_semaphore(%run_scoped3A : memref<!tpu.dma_semaphore, #tpu.memory_space<semaphore_mem>>)
        %dma_wait3A = arith.constant 0 : i32
        %dma_wait3A_351 = tpu.memref_slice %arg2[%add3A_341, %dma_wait3A] : memref<16384x200xi32, #tpu.memory_space<hbm>> -> memref<128x200xi32, #tpu.memory_space<hbm>>
        %dma_wait3A_352 = arith.constant 0 : i32
        %dma_wait3A_353 = tpu.memref_slice %arg2[%add3A_341, %dma_wait3A_352] : memref<16384x200xi32, #tpu.memory_space<hbm>> -> memref<128x200xi32, #tpu.memory_space<hbm>>
        tpu.wait_dma2 semaphore(%run_scoped3A : memref<!tpu.dma_semaphore, #tpu.memory_space<semaphore_mem>>) src(%dma_wait3A_353 : memref<128x200xi32, #tpu.memory_space<hbm>>) dst(%arg9 : memref<128x200xi32, #tpu.memory_space<vmem>>)
        tpu.yield
      }) : () -> ()
      %parallel_loop3A = arith.constant 0 : i32
      %parallel_loop3A_342 = arith.constant 128 : i32
      %parallel_loop3A_343 = arith.constant 1 : i32
      scf.for %parallel_loop3A_348 = %parallel_loop3A to %parallel_loop3A_342 step %parallel_loop3A_343  : i32 {
        %parallel_loop3A_349 = arith.constant 201 : i32
        %parallel_loop3A_350 = arith.muli %parallel_loop3A_348, %parallel_loop3A_349 : i32
        %parallel_loop3A_351 = vector.broadcast %parallel_loop3A_350 : i32 to vector<16xi32>
        %parallel_loop3A_352 = arith.index_cast %parallel_loop3A_348 : i32 to index
        %parallel_loop3A_353 = arith.constant 0 : index
        %parallel_loop3A_354 = tpu.vector_load %arg9[%parallel_loop3A_352, %parallel_loop3A_353] {strides = array<i32>} : memref<128x200xi32, #tpu.memory_space<vmem>>, vector<16xi32>,
        %parallel_loop3A_355 = arith.addi %parallel_loop3A_351, %add3A_245 : vector<16xi32>
        tpu.vector_store_idx %arg10[%parallel_loop3A_355], %parallel_loop3A_354 : memref<25728xi32, #tpu.memory_space<vmem>>[vector<16xi32>], vector<16xi32>,
        %parallel_loop3A_356 = arith.index_cast %parallel_loop3A_348 : i32 to index
        %parallel_loop3A_357 = arith.constant 16 : index
        %parallel_loop3A_358 = tpu.vector_load %arg9[%parallel_loop3A_356, %parallel_loop3A_357] {strides = array<i32>} : memref<128x200xi32, #tpu.memory_space<vmem>>, vector<16xi32>,
        %parallel_loop3A_359 = arith.addi %parallel_loop3A_351, %add3A_248 : vector<16xi32>
        tpu.vector_store_idx %arg10[%parallel_loop3A_359], %parallel_loop3A_358 : memref<25728xi32, #tpu.memory_space<vmem>>[vector<16xi32>], vector<16xi32>,
        %parallel_loop3A_360 = arith.index_cast %parallel_loop3A_348 : i32 to index
        %parallel_loop3A_361 = arith.constant 32 : index
        %parallel_loop3A_362 = tpu.vector_load %arg9[%parallel_loop3A_360, %parallel_loop3A_361] {strides = array<i32>} : memref<128x200xi32, #tpu.memory_space<vmem>>, vector<16xi32>,
        %parallel_loop3A_363 = arith.addi %parallel_loop3A_351, %add3A_251 : vector<16xi32>
        tpu.vector_store_idx %arg10[%parallel_loop3A_363], %parallel_loop3A_362 : memref<25728xi32, #tpu.memory_space<vmem>>[vector<16xi32>], vector<16xi32>,
        %parallel_loop3A_364 = arith.index_cast %parallel_loop3A_348 : i32 to index
        %parallel_loop3A_365 = arith.constant 48 : index
        %parallel_loop3A_366 = tpu.vector_load %arg9[%parallel_loop3A_364, %parallel_loop3A_365] {strides = array<i32>} : memref<128x200xi32, #tpu.memory_space<vmem>>, vector<16xi32>,
        %parallel_loop3A_367 = arith.addi %parallel_loop3A_351, %add3A_254 : vector<16xi32>
        tpu.vector_store_idx %arg10[%parallel_loop3A_367], %parallel_loop3A_366 : memref<25728xi32, #tpu.memory_space<vmem>>[vector<16xi32>], vector<16xi32>,
        %parallel_loop3A_368 = arith.index_cast %parallel_loop3A_348 : i32 to index
        %parallel_loop3A_369 = arith.constant 64 : index
        %parallel_loop3A_370 = tpu.vector_load %arg9[%parallel_loop3A_368, %parallel_loop3A_369] {strides = array<i32>} : memref<128x200xi32, #tpu.memory_space<vmem>>, vector<16xi32>,
        %parallel_loop3A_371 = arith.addi %parallel_loop3A_351, %add3A_257 : vector<16xi32>
        tpu.vector_store_idx %arg10[%parallel_loop3A_371], %parallel_loop3A_370 : memref<25728xi32, #tpu.memory_space<vmem>>[vector<16xi32>], vector<16xi32>,
        %parallel_loop3A_372 = arith.index_cast %parallel_loop3A_348 : i32 to index
        %parallel_loop3A_373 = arith.constant 80 : index
        %parallel_loop3A_374 = tpu.vector_load %arg9[%parallel_loop3A_372, %parallel_loop3A_373] {strides = array<i32>} : memref<128x200xi32, #tpu.memory_space<vmem>>, vector<16xi32>,
        %parallel_loop3A_375 = arith.addi %parallel_loop3A_351, %add3A_260 : vector<16xi32>
        tpu.vector_store_idx %arg10[%parallel_loop3A_375], %parallel_loop3A_374 : memref<25728xi32, #tpu.memory_space<vmem>>[vector<16xi32>], vector<16xi32>,
        %parallel_loop3A_376 = arith.index_cast %parallel_loop3A_348 : i32 to index
        %parallel_loop3A_377 = arith.constant 96 : index
        %parallel_loop3A_378 = tpu.vector_load %arg9[%parallel_loop3A_376, %parallel_loop3A_377] {strides = array<i32>} : memref<128x200xi32, #tpu.memory_space<vmem>>, vector<16xi32>,
        %parallel_loop3A_379 = arith.addi %parallel_loop3A_351, %add3A_263 : vector<16xi32>
        tpu.vector_store_idx %arg10[%parallel_loop3A_379], %parallel_loop3A_378 : memref<25728xi32, #tpu.memory_space<vmem>>[vector<16xi32>], vector<16xi32>,
        %parallel_loop3A_380 = arith.index_cast %parallel_loop3A_348 : i32 to index
        %parallel_loop3A_381 = arith.constant 112 : index
        %parallel_loop3A_382 = tpu.vector_load %arg9[%parallel_loop3A_380, %parallel_loop3A_381] {strides = array<i32>} : memref<128x200xi32, #tpu.memory_space<vmem>>, vector<16xi32>,
        %parallel_loop3A_383 = arith.addi %parallel_loop3A_351, %add3A_266 : vector<16xi32>
        tpu.vector_store_idx %arg10[%parallel_loop3A_383], %parallel_loop3A_382 : memref<25728xi32, #tpu.memory_space<vmem>>[vector<16xi32>], vector<16xi32>,
        %parallel_loop3A_384 = arith.index_cast %parallel_loop3A_348 : i32 to index
        %parallel_loop3A_385 = arith.constant 128 : index
        %parallel_loop3A_386 = tpu.vector_load %arg9[%parallel_loop3A_384, %parallel_loop3A_385] {strides = array<i32>} : memref<128x200xi32, #tpu.memory_space<vmem>>, vector<16xi32>,
        %parallel_loop3A_387 = arith.addi %parallel_loop3A_351, %add3A_269 : vector<16xi32>
        tpu.vector_store_idx %arg10[%parallel_loop3A_387], %parallel_loop3A_386 : memref<25728xi32, #tpu.memory_space<vmem>>[vector<16xi32>], vector<16xi32>,
        %parallel_loop3A_388 = arith.index_cast %parallel_loop3A_348 : i32 to index
        %parallel_loop3A_389 = arith.constant 144 : index
        %parallel_loop3A_390 = tpu.vector_load %arg9[%parallel_loop3A_388, %parallel_loop3A_389] {strides = array<i32>} : memref<128x200xi32, #tpu.memory_space<vmem>>, vector<16xi32>,
        %parallel_loop3A_391 = arith.addi %parallel_loop3A_351, %add3A_272 : vector<16xi32>
        tpu.vector_store_idx %arg10[%parallel_loop3A_391], %parallel_loop3A_390 : memref<25728xi32, #tpu.memory_space<vmem>>[vector<16xi32>], vector<16xi32>,
        %parallel_loop3A_392 = arith.index_cast %parallel_loop3A_348 : i32 to index
        %parallel_loop3A_393 = arith.constant 160 : index
        %parallel_loop3A_394 = tpu.vector_load %arg9[%parallel_loop3A_392, %parallel_loop3A_393] {strides = array<i32>} : memref<128x200xi32, #tpu.memory_space<vmem>>, vector<16xi32>,
        %parallel_loop3A_395 = arith.addi %parallel_loop3A_351, %add3A_275 : vector<16xi32>
        tpu.vector_store_idx %arg10[%parallel_loop3A_395], %parallel_loop3A_394 : memref<25728xi32, #tpu.memory_space<vmem>>[vector<16xi32>], vector<16xi32>,
        %parallel_loop3A_396 = arith.index_cast %parallel_loop3A_348 : i32 to index
        %parallel_loop3A_397 = arith.constant 176 : index
        %parallel_loop3A_398 = tpu.vector_load %arg9[%parallel_loop3A_396, %parallel_loop3A_397] {strides = array<i32>} : memref<128x200xi32, #tpu.memory_space<vmem>>, vector<16xi32>,
        %parallel_loop3A_399 = arith.addi %parallel_loop3A_351, %add3A_278 : vector<16xi32>
        tpu.vector_store_idx %arg10[%parallel_loop3A_399], %parallel_loop3A_398 : memref<25728xi32, #tpu.memory_space<vmem>>[vector<16xi32>], vector<16xi32>,
        %parallel_loop3A_400 = arith.index_cast %parallel_loop3A_348 : i32 to index
        %parallel_loop3A_401 = arith.constant 184 : index
        %parallel_loop3A_402 = tpu.vector_load %arg9[%parallel_loop3A_400, %parallel_loop3A_401] {strides = array<i32>} : memref<128x200xi32, #tpu.memory_space<vmem>>, vector<16xi32>,
        %parallel_loop3A_403 = arith.addi %parallel_loop3A_351, %add3A_281 : vector<16xi32>
        tpu.vector_store_idx %arg10[%parallel_loop3A_403], %parallel_loop3A_402 : memref<25728xi32, #tpu.memory_space<vmem>>[vector<16xi32>], vector<16xi32>,
      } {sc.loop_unroll_factor = 2 : i64, sc.parallel_access}
      %parallel_loop3A_344 = arith.constant 0 : i32
      %parallel_loop3A_345 = arith.constant 200 : i32
      %parallel_loop3A_346 = arith.constant 1 : i32
      scf.for %parallel_loop3A_348 = %parallel_loop3A_344 to %parallel_loop3A_345 step %parallel_loop3A_346  : i32 {
        %parallel_loop3A_349 = vector.broadcast %parallel_loop3A_348 : i32 to vector<16xi32>
        %parallel_loop3A_350 = arith.addi %mul3A_287, %parallel_loop3A_349 : vector<16xi32>
        %parallel_loop3A_351 = tpu.vector_load_idx %arg10[%parallel_loop3A_350] : memref<25728xi32, #tpu.memory_space<vmem>>[vector<16xi32>], vector<16xi32>,
        %parallel_loop3A_352 = tpu.vector_load_idx %arg7[%parallel_loop3A_351] : memref<256xf32, #tpu.memory_space<vmem>>[vector<16xi32>], vector<16xf32>,
        %parallel_loop3A_353 = arith.index_cast %parallel_loop3A_348 : i32 to index
        %parallel_loop3A_354 = arith.constant 0 : index
        %parallel_loop3A_355 = tpu.vector_load %arg11[%parallel_loop3A_353, %parallel_loop3A_354] {strides = array<i32>} : memref<200x128xf32, #tpu.memory_space<vmem>>, vector<16xf32>,
        tpu.vector_store %arg11[%parallel_loop3A_353, %parallel_loop3A_354], %parallel_loop3A_352 {strides = array<i32>} : memref<200x128xf32, #tpu.memory_space<vmem>>, vector<16xf32>,
        %parallel_loop3A_356 = tpu.vector_load_idx %arg8[%parallel_loop3A_351] : memref<256xf32, #tpu.memory_space<vmem>>[vector<16xi32>], vector<16xf32>,
        %parallel_loop3A_357 = arith.index_cast %parallel_loop3A_348 : i32 to index
        %parallel_loop3A_358 = arith.constant 0 : index
        %parallel_loop3A_359 = tpu.vector_load %arg12[%parallel_loop3A_357, %parallel_loop3A_358] {strides = array<i32>} : memref<200x128xf32, #tpu.memory_space<vmem>>, vector<16xf32>,
        tpu.vector_store %arg12[%parallel_loop3A_357, %parallel_loop3A_358], %parallel_loop3A_356 {strides = array<i32>} : memref<200x128xf32, #tpu.memory_space<vmem>>, vector<16xf32>,
        %parallel_loop3A_360 = arith.addi %mul3A_293, %parallel_loop3A_349 : vector<16xi32>
        %parallel_loop3A_361 = tpu.vector_load_idx %arg10[%parallel_loop3A_360] : memref<25728xi32, #tpu.memory_space<vmem>>[vector<16xi32>], vector<16xi32>,
        %parallel_loop3A_362 = tpu.vector_load_idx %arg7[%parallel_loop3A_361] : memref<256xf32, #tpu.memory_space<vmem>>[vector<16xi32>], vector<16xf32>,
        %parallel_loop3A_363 = arith.index_cast %parallel_loop3A_348 : i32 to index
        %parallel_loop3A_364 = arith.constant 16 : index
        %parallel_loop3A_365 = tpu.vector_load %arg11[%parallel_loop3A_363, %parallel_loop3A_364] {strides = array<i32>} : memref<200x128xf32, #tpu.memory_space<vmem>>, vector<16xf32>,
        tpu.vector_store %arg11[%parallel_loop3A_363, %parallel_loop3A_364], %parallel_loop3A_362 {strides = array<i32>} : memref<200x128xf32, #tpu.memory_space<vmem>>, vector<16xf32>,
        %parallel_loop3A_366 = tpu.vector_load_idx %arg8[%parallel_loop3A_361] : memref<256xf32, #tpu.memory_space<vmem>>[vector<16xi32>], vector<16xf32>,
        %parallel_loop3A_367 = arith.index_cast %parallel_loop3A_348 : i32 to index
        %parallel_loop3A_368 = arith.constant 16 : index
        %parallel_loop3A_369 = tpu.vector_load %arg12[%parallel_loop3A_367, %parallel_loop3A_368] {strides = array<i32>} : memref<200x128xf32, #tpu.memory_space<vmem>>, vector<16xf32>,
        tpu.vector_store %arg12[%parallel_loop3A_367, %parallel_loop3A_368], %parallel_loop3A_366 {strides = array<i32>} : memref<200x128xf32, #tpu.memory_space<vmem>>, vector<16xf32>,
        %parallel_loop3A_370 = arith.addi %mul3A_299, %parallel_loop3A_349 : vector<16xi32>
        %parallel_loop3A_371 = tpu.vector_load_idx %arg10[%parallel_loop3A_370] : memref<25728xi32, #tpu.memory_space<vmem>>[vector<16xi32>], vector<16xi32>,
        %parallel_loop3A_372 = tpu.vector_load_idx %arg7[%parallel_loop3A_371] : memref<256xf32, #tpu.memory_space<vmem>>[vector<16xi32>], vector<16xf32>,
        %parallel_loop3A_373 = arith.index_cast %parallel_loop3A_348 : i32 to index
        %parallel_loop3A_374 = arith.constant 32 : index
        %parallel_loop3A_375 = tpu.vector_load %arg11[%parallel_loop3A_373, %parallel_loop3A_374] {strides = array<i32>} : memref<200x128xf32, #tpu.memory_space<vmem>>, vector<16xf32>,
        tpu.vector_store %arg11[%parallel_loop3A_373, %parallel_loop3A_374], %parallel_loop3A_372 {strides = array<i32>} : memref<200x128xf32, #tpu.memory_space<vmem>>, vector<16xf32>,
        %parallel_loop3A_376 = tpu.vector_load_idx %arg8[%parallel_loop3A_371] : memref<256xf32, #tpu.memory_space<vmem>>[vector<16xi32>], vector<16xf32>,
        %parallel_loop3A_377 = arith.index_cast %parallel_loop3A_348 : i32 to index
        %parallel_loop3A_378 = arith.constant 32 : index
        %parallel_loop3A_379 = tpu.vector_load %arg12[%parallel_loop3A_377, %parallel_loop3A_378] {strides = array<i32>} : memref<200x128xf32, #tpu.memory_space<vmem>>, vector<16xf32>,
        tpu.vector_store %arg12[%parallel_loop3A_377, %parallel_loop3A_378], %parallel_loop3A_376 {strides = array<i32>} : memref<200x128xf32, #tpu.memory_space<vmem>>, vector<16xf32>,
        %parallel_loop3A_380 = arith.addi %mul3A_305, %parallel_loop3A_349 : vector<16xi32>
        %parallel_loop3A_381 = tpu.vector_load_idx %arg10[%parallel_loop3A_380] : memref<25728xi32, #tpu.memory_space<vmem>>[vector<16xi32>], vector<16xi32>,
        %parallel_loop3A_382 = tpu.vector_load_idx %arg7[%parallel_loop3A_381] : memref<256xf32, #tpu.memory_space<vmem>>[vector<16xi32>], vector<16xf32>,
        %parallel_loop3A_383 = arith.index_cast %parallel_loop3A_348 : i32 to index
        %parallel_loop3A_384 = arith.constant 48 : index
        %parallel_loop3A_385 = tpu.vector_load %arg11[%parallel_loop3A_383, %parallel_loop3A_384] {strides = array<i32>} : memref<200x128xf32, #tpu.memory_space<vmem>>, vector<16xf32>,
        tpu.vector_store %arg11[%parallel_loop3A_383, %parallel_loop3A_384], %parallel_loop3A_382 {strides = array<i32>} : memref<200x128xf32, #tpu.memory_space<vmem>>, vector<16xf32>,
        %parallel_loop3A_386 = tpu.vector_load_idx %arg8[%parallel_loop3A_381] : memref<256xf32, #tpu.memory_space<vmem>>[vector<16xi32>], vector<16xf32>,
        %parallel_loop3A_387 = arith.index_cast %parallel_loop3A_348 : i32 to index
        %parallel_loop3A_388 = arith.constant 48 : index
        %parallel_loop3A_389 = tpu.vector_load %arg12[%parallel_loop3A_387, %parallel_loop3A_388] {strides = array<i32>} : memref<200x128xf32, #tpu.memory_space<vmem>>, vector<16xf32>,
        tpu.vector_store %arg12[%parallel_loop3A_387, %parallel_loop3A_388], %parallel_loop3A_386 {strides = array<i32>} : memref<200x128xf32, #tpu.memory_space<vmem>>, vector<16xf32>,
        %parallel_loop3A_390 = arith.addi %mul3A_311, %parallel_loop3A_349 : vector<16xi32>
        %parallel_loop3A_391 = tpu.vector_load_idx %arg10[%parallel_loop3A_390] : memref<25728xi32, #tpu.memory_space<vmem>>[vector<16xi32>], vector<16xi32>,
        %parallel_loop3A_392 = tpu.vector_load_idx %arg7[%parallel_loop3A_391] : memref<256xf32, #tpu.memory_space<vmem>>[vector<16xi32>], vector<16xf32>,
        %parallel_loop3A_393 = arith.index_cast %parallel_loop3A_348 : i32 to index
        %parallel_loop3A_394 = arith.constant 64 : index
        %parallel_loop3A_395 = tpu.vector_load %arg11[%parallel_loop3A_393, %parallel_loop3A_394] {strides = array<i32>} : memref<200x128xf32, #tpu.memory_space<vmem>>, vector<16xf32>,
        tpu.vector_store %arg11[%parallel_loop3A_393, %parallel_loop3A_394], %parallel_loop3A_392 {strides = array<i32>} : memref<200x128xf32, #tpu.memory_space<vmem>>, vector<16xf32>,
        %parallel_loop3A_396 = tpu.vector_load_idx %arg8[%parallel_loop3A_391] : memref<256xf32, #tpu.memory_space<vmem>>[vector<16xi32>], vector<16xf32>,
        %parallel_loop3A_397 = arith.index_cast %parallel_loop3A_348 : i32 to index
        %parallel_loop3A_398 = arith.constant 64 : index
        %parallel_loop3A_399 = tpu.vector_load %arg12[%parallel_loop3A_397, %parallel_loop3A_398] {strides = array<i32>} : memref<200x128xf32, #tpu.memory_space<vmem>>, vector<16xf32>,
        tpu.vector_store %arg12[%parallel_loop3A_397, %parallel_loop3A_398], %parallel_loop3A_396 {strides = array<i32>} : memref<200x128xf32, #tpu.memory_space<vmem>>, vector<16xf32>,
        %parallel_loop3A_400 = arith.addi %mul3A_317, %parallel_loop3A_349 : vector<16xi32>
        %parallel_loop3A_401 = tpu.vector_load_idx %arg10[%parallel_loop3A_400] : memref<25728xi32, #tpu.memory_space<vmem>>[vector<16xi32>], vector<16xi32>,
        %parallel_loop3A_402 = tpu.vector_load_idx %arg7[%parallel_loop3A_401] : memref<256xf32, #tpu.memory_space<vmem>>[vector<16xi32>], vector<16xf32>,
        %parallel_loop3A_403 = arith.index_cast %parallel_loop3A_348 : i32 to index
        %parallel_loop3A_404 = arith.constant 80 : index
        %parallel_loop3A_405 = tpu.vector_load %arg11[%parallel_loop3A_403, %parallel_loop3A_404] {strides = array<i32>} : memref<200x128xf32, #tpu.memory_space<vmem>>, vector<16xf32>,
        tpu.vector_store %arg11[%parallel_loop3A_403, %parallel_loop3A_404], %parallel_loop3A_402 {strides = array<i32>} : memref<200x128xf32, #tpu.memory_space<vmem>>, vector<16xf32>,
        %parallel_loop3A_406 = tpu.vector_load_idx %arg8[%parallel_loop3A_401] : memref<256xf32, #tpu.memory_space<vmem>>[vector<16xi32>], vector<16xf32>,
        %parallel_loop3A_407 = arith.index_cast %parallel_loop3A_348 : i32 to index
        %parallel_loop3A_408 = arith.constant 80 : index
        %parallel_loop3A_409 = tpu.vector_load %arg12[%parallel_loop3A_407, %parallel_loop3A_408] {strides = array<i32>} : memref<200x128xf32, #tpu.memory_space<vmem>>, vector<16xf32>,
        tpu.vector_store %arg12[%parallel_loop3A_407, %parallel_loop3A_408], %parallel_loop3A_406 {strides = array<i32>} : memref<200x128xf32, #tpu.memory_space<vmem>>, vector<16xf32>,
        %parallel_loop3A_410 = arith.addi %mul3A_323, %parallel_loop3A_349 : vector<16xi32>
        %parallel_loop3A_411 = tpu.vector_load_idx %arg10[%parallel_loop3A_410] : memref<25728xi32, #tpu.memory_space<vmem>>[vector<16xi32>], vector<16xi32>,
        %parallel_loop3A_412 = tpu.vector_load_idx %arg7[%parallel_loop3A_411] : memref<256xf32, #tpu.memory_space<vmem>>[vector<16xi32>], vector<16xf32>,
        %parallel_loop3A_413 = arith.index_cast %parallel_loop3A_348 : i32 to index
        %parallel_loop3A_414 = arith.constant 96 : index
        %parallel_loop3A_415 = tpu.vector_load %arg11[%parallel_loop3A_413, %parallel_loop3A_414] {strides = array<i32>} : memref<200x128xf32, #tpu.memory_space<vmem>>, vector<16xf32>,
        tpu.vector_store %arg11[%parallel_loop3A_413, %parallel_loop3A_414], %parallel_loop3A_412 {strides = array<i32>} : memref<200x128xf32, #tpu.memory_space<vmem>>, vector<16xf32>,
        %parallel_loop3A_416 = tpu.vector_load_idx %arg8[%parallel_loop3A_411] : memref<256xf32, #tpu.memory_space<vmem>>[vector<16xi32>], vector<16xf32>,
        %parallel_loop3A_417 = arith.index_cast %parallel_loop3A_348 : i32 to index
        %parallel_loop3A_418 = arith.constant 96 : index
        %parallel_loop3A_419 = tpu.vector_load %arg12[%parallel_loop3A_417, %parallel_loop3A_418] {strides = array<i32>} : memref<200x128xf32, #tpu.memory_space<vmem>>, vector<16xf32>,
        tpu.vector_store %arg12[%parallel_loop3A_417, %parallel_loop3A_418], %parallel_loop3A_416 {strides = array<i32>} : memref<200x128xf32, #tpu.memory_space<vmem>>, vector<16xf32>,
        %parallel_loop3A_420 = arith.addi %mul3A_329, %parallel_loop3A_349 : vector<16xi32>
        %parallel_loop3A_421 = tpu.vector_load_idx %arg10[%parallel_loop3A_420] : memref<25728xi32, #tpu.memory_space<vmem>>[vector<16xi32>], vector<16xi32>,
        %parallel_loop3A_422 = tpu.vector_load_idx %arg7[%parallel_loop3A_421] : memref<256xf32, #tpu.memory_space<vmem>>[vector<16xi32>], vector<16xf32>,
        %parallel_loop3A_423 = arith.index_cast %parallel_loop3A_348 : i32 to index
        %parallel_loop3A_424 = arith.constant 112 : index
        %parallel_loop3A_425 = tpu.vector_load %arg11[%parallel_loop3A_423, %parallel_loop3A_424] {strides = array<i32>} : memref<200x128xf32, #tpu.memory_space<vmem>>, vector<16xf32>,
        tpu.vector_store %arg11[%parallel_loop3A_423, %parallel_loop3A_424], %parallel_loop3A_422 {strides = array<i32>} : memref<200x128xf32, #tpu.memory_space<vmem>>, vector<16xf32>,
        %parallel_loop3A_426 = tpu.vector_load_idx %arg8[%parallel_loop3A_421] : memref<256xf32, #tpu.memory_space<vmem>>[vector<16xi32>], vector<16xf32>,
        %parallel_loop3A_427 = arith.index_cast %parallel_loop3A_348 : i32 to index
        %parallel_loop3A_428 = arith.constant 112 : index
        %parallel_loop3A_429 = tpu.vector_load %arg12[%parallel_loop3A_427, %parallel_loop3A_428] {strides = array<i32>} : memref<200x128xf32, #tpu.memory_space<vmem>>, vector<16xf32>,
        tpu.vector_store %arg12[%parallel_loop3A_427, %parallel_loop3A_428], %parallel_loop3A_426 {strides = array<i32>} : memref<200x128xf32, #tpu.memory_space<vmem>>, vector<16xf32>,
      } {sc.loop_unroll_factor = 2 : i64, sc.parallel_access}
      "tpu.region"() ({
        %run_scoped3A = tpu.sem_alloc : memref<!tpu.dma_semaphore, #tpu.memory_space<semaphore_mem>>
        %dma_start3A = arith.constant 0 : i32
        %dma_start3A_348 = tpu.memref_slice %arg5[%dma_start3A, %add3A_341] : memref<200x16384xf32, #tpu.memory_space<hbm>> -> memref<200x128xf32, #tpu.memory_space<hbm>>
        %dma_start3A_349 = arith.constant 0 : i32
        %dma_start3A_350 = tpu.memref_slice %arg5[%dma_start3A_349, %add3A_341] : memref<200x16384xf32, #tpu.memory_space<hbm>> -> memref<200x128xf32, #tpu.memory_space<hbm>>
        tpu.enqueue_dma source(%arg11 : memref<200x128xf32, #tpu.memory_space<vmem>>) target(%dma_start3A_350 : memref<200x128xf32, #tpu.memory_space<hbm>>) target_semaphore(%run_scoped3A : memref<!tpu.dma_semaphore, #tpu.memory_space<semaphore_mem>>)
        %dma_wait3A = arith.constant 0 : i32
        %dma_wait3A_351 = tpu.memref_slice %arg5[%dma_wait3A, %add3A_341] : memref<200x16384xf32, #tpu.memory_space<hbm>> -> memref<200x128xf32, #tpu.memory_space<hbm>>
        %dma_wait3A_352 = arith.constant 0 : i32
        %dma_wait3A_353 = tpu.memref_slice %arg5[%dma_wait3A_352, %add3A_341] : memref<200x16384xf32, #tpu.memory_space<hbm>> -> memref<200x128xf32, #tpu.memory_space<hbm>>
        tpu.wait_dma2 semaphore(%run_scoped3A : memref<!tpu.dma_semaphore, #tpu.memory_space<semaphore_mem>>) src(%arg11 : memref<200x128xf32, #tpu.memory_space<vmem>>) dst(%dma_wait3A_353 : memref<200x128xf32, #tpu.memory_space<hbm>>)
        tpu.yield
      }) : () -> ()
      "tpu.region"() ({
        %run_scoped3A = tpu.sem_alloc : memref<!tpu.dma_semaphore, #tpu.memory_space<semaphore_mem>>
        %dma_start3A = arith.constant 0 : i32
        %dma_start3A_348 = tpu.memref_slice %arg6[%dma_start3A, %add3A_341] : memref<200x16384xf32, #tpu.memory_space<hbm>> -> memref<200x128xf32, #tpu.memory_space<hbm>>
        %dma_start3A_349 = arith.constant 0 : i32
        %dma_start3A_350 = tpu.memref_slice %arg6[%dma_start3A_349, %add3A_341] : memref<200x16384xf32, #tpu.memory_space<hbm>> -> memref<200x128xf32, #tpu.memory_space<hbm>>
        tpu.enqueue_dma source(%arg12 : memref<200x128xf32, #tpu.memory_space<vmem>>) target(%dma_start3A_350 : memref<200x128xf32, #tpu.memory_space<hbm>>) target_semaphore(%run_scoped3A : memref<!tpu.dma_semaphore, #tpu.memory_space<semaphore_mem>>)
        %dma_wait3A = arith.constant 0 : i32
        %dma_wait3A_351 = tpu.memref_slice %arg6[%dma_wait3A, %add3A_341] : memref<200x16384xf32, #tpu.memory_space<hbm>> -> memref<200x128xf32, #tpu.memory_space<hbm>>
        %dma_wait3A_352 = arith.constant 0 : i32
        %dma_wait3A_353 = tpu.memref_slice %arg6[%dma_wait3A_352, %add3A_341] : memref<200x16384xf32, #tpu.memory_space<hbm>> -> memref<200x128xf32, #tpu.memory_space<hbm>>
        tpu.wait_dma2 semaphore(%run_scoped3A : memref<!tpu.dma_semaphore, #tpu.memory_space<semaphore_mem>>) src(%arg12 : memref<200x128xf32, #tpu.memory_space<vmem>>) dst(%dma_wait3A_353 : memref<200x128xf32, #tpu.memory_space<hbm>>)
        tpu.yield
      }) : () -> ()
      %scan3A_347 = arith.constant 0 : i32
      scf.yield %scan3A_347 : i32
    }
    %scan3A_336 = arith.constant 4 : i32
    return
  }
}

</mosaic_0001>

<sc_bundles>
// kernel: kernel.3.cloned.1.call-start
scs
__scs_entry_jumppad:
0x0: {  	(pc) =	sbr.rel $0x88, $3  }
0x1: {  	(tag) =	ssettag $0x0;
	lr =	simm.s32 $0x1  }
0x2: {  	[smem:$0x3F9E] =	sst lr;
	_ =	strace $0xD0000000  }
0x3: {  	_ = 	snop  }
0x4: {  	_ = 	snop  }
0x5: {  	_ = 	snop  }
0x6: {  	_ = 	snop  }
0x7: {  	_ = 	snop  }
__scs_overlays_trampoline_lowered:
0x8: {  	[smem:$0x3FAD] =	sst s0  }
0x9: {  	[smem:$0x3FAE] =	sst s1  }
0xa: {  	[smem:$0x3FAF] =	sst s2  }
0xb: {  	[smem:$0x3FB0] =	sst s3  }
0xc: {  	[smem:$0x3FB1] =	sst s4  }
0xd: {  	[smem:$0x3FB2] =	sst s5  }
0xe: {  	[smem:$0x3FB3] =	sst s6  }
0xf: {  	[smem:$0x3FB4] =	sst s7  }
0x10: {  	[smem:$0x3FB5] =	sst s8  }
0x11: {  	[smem:$0x3FB6] =	sst s9;
	s0 =	simm.s32 @!p0 $0x0  }
0x12: {  	s1 =	sld [smem:$0x3F9C];
	s0 =	simm.s32 @p0 $0x1  }
0x13: {  	[smem:$0x3FB7] =	sst s0;
	s0 =	simm.s32 @!p1 $0x0  }
0x14: {  	s2 =	sld [smem:$0x3F9B];
	s0 =	simm.s32 @p1 $0x1  }
0x15: {  	[smem:$0x3FB8] =	sst s0;
	s0 =	simm.s32 @!p2 $0x0  }
0x16: {  	s3 =	sld [smem:$0x3FDB];
	s0 =	simm.s32 @p2 $0x1  }
0x17: {  	s4 =	simm.s32 $0x1BF5;
	[smem:$0x3FBA] =	sst s0  }
0x18: {  	s0 =	sld [smem:$0x3F9D];
	_ =	swait.ge [sflag:s4], $0x0  }
0x19: {  	s7 =	sld [smem:$0x3F9E]  }
0x1a: {  	s8 =	sadd.s32 $0xFFFFE003, lr  }
0x1b: {  	s9 =	sadd.s32 $0xFFFFFEF7, lr;
	s5 =	simm.s32 $0xFFFFFFFF;
	p2 =	slt.u32 s8, $0xFFFFF086  }
0x1c: {  	p1 =	slt.u32 s9, $0xF7A;
	s5 =	simm.s32 @!p2 $0x0  }
0x1d: {  	s5 =	simm.s32 @p1 $0x1;
	p0 =	seq.s32 s7, s2  }
0x1e: {  	s7 =	smul.u32 @!p0 $0xF7A, s2;
	p2 =	seq.s32 @!p0 s5, $0x0  }
0x1f: {  	s9 =	smul.u32 $0xF7A, s1;
	s8 =	simm.s32 @!p0 $0x1BF5;
	p2 =	por !p2, p0  }
0x20: {  	[sflag:s8] =	ssyncset.s32 @!p0 $0xFFFFF086;
	s6 =	sadd.s32 @!p0 s3, s7;
	s7 =	simm.s32 @!p0 $0x108  }
0x21: {  	s3 =	sadd.s32 s3, s9;
	s6 =	sadd.s32 @!p0 $0x88, s6;
	s7 =	simm.s32 @p2 $0x1082  }
0x22: {  	[simem:s7], [sflag:s8] =	dma.local @!p0 [hbm:s6], $0xF7A  }
0x23: {  	s9 =	sor.u32 $0xD0000000, s2;
	s6 =	simm.s32 $0x108;
	_ =	swait.ge @!p0 [sflag:s8], $0x0  }
0x24: {  	s3 =	sadd.s32 $0x88, s3;
	s6 =	simm.s32 @!p1 $0x1082;
	[sflag:s4] =	ssyncset.s32 $0xFFFFF086  }
0x25: {  	[simem:s6], [sflag:s4] =	dma.local [hbm:s3], $0xF7A  }
0x26: {  	[smem:$0x3F9E] =	sst s1;
	(tag) =	ssettag s2;
	_ =	strace s9  }
0x27: {  	s1 =	sld [smem:$0x3FAE]  }
0x28: {  	s2 =	sld [smem:$0x3FAF]  }
0x29: {  	s4 =	sld [smem:$0x3FB1]  }
0x2a: {  	p0 =	seq.s32 s5, $0x0;
	s5 =	sld [smem:$0x3FB2]  }
0x2b: {  	s6 =	sld [smem:$0x3FB3]  }
0x2c: {  	s7 =	sld [smem:$0x3FB4]  }
0x2d: {  	s3 =	simm.s32 $0x108;
	s8 =	sld [smem:$0x3FB5]  }
0x2e: {  	s3 =	simm.s32 @!p0 $0x1082;
	s9 =	sld [smem:$0x3FB6]  }
0x2f: {  	lr =	sadd.s32 s0, s3;
	s0 =	sld [smem:$0x3FAD]  }
0x30: {  	s3 =	sld [smem:$0x3FB0]  }
0x31: {  	[smem:$0x3FB9] =	sst s10  }
0x32: {  	s10 =	sld [smem:$0x3FB7];
	_ =	sdelay $0x3  }
0x33: {  	p0 =	seq.s32 s10, $0x1;
	s10 =	sld [smem:$0x3FB9];
	_ =	sdelay $0x3  }
0x34: {  	[smem:$0x3FB9] =	sst s10  }
0x35: {  	s10 =	sld [smem:$0x3FB8];
	_ =	sdelay $0x3  }
0x36: {  	p1 =	seq.s32 s10, $0x1;
	s10 =	sld [smem:$0x3FB9];
	_ =	sdelay $0x3  }
0x37: {  	[smem:$0x3FB9] =	sst s10  }
0x38: {  	s10 =	sld [smem:$0x3FBA]  }
0x39: {  	_ = 	snop;
	(pc) =	sbr.ind lr, $3  }
0x3a: {  	_ = 	snop  }
0x3b: {  	_ = 	snop  }
0x3c: {  	p2 =	seq.s32 s10, $0x1;
	s10 =	sld [smem:$0x3FB9]  }
0x3d: {  	_ =	shalt  }
0x3e: {  	_ =	shalt  }
0x3f: {  	_ =	shalt  }
0x40: {  	_ =	shalt  }
0x41: {  	_ =	shalt  }
0x42: {  	_ =	shalt  }
0x43: {  	_ =	shalt  }
0x44: {  	_ =	shalt  }
0x45: {  	_ =	shalt  }
0x46: {  	_ =	shalt  }
0x47: {  	_ =	shalt  }
0x48: {  	_ =	shalt  }
0x49: {  	_ =	shalt  }
0x4a: {  	_ =	shalt  }
0x4b: {  	_ =	shalt  }
0x4c: {  	_ =	shalt  }
0x4d: {  	_ =	shalt  }
0x4e: {  	_ =	shalt  }
0x4f: {  	_ =	shalt  }
0x50: {  	_ =	shalt  }
0x51: {  	_ =	shalt  }
0x52: {  	_ =	shalt  }
0x53: {  	_ =	shalt  }
0x54: {  	_ =	shalt  }
0x55: {  	_ =	shalt  }
0x56: {  	_ =	shalt  }
0x57: {  	_ =	shalt  }
0x58: {  	_ =	shalt  }
0x59: {  	_ =	shalt  }
0x5a: {  	_ =	shalt  }
0x5b: {  	_ =	shalt  }
0x5c: {  	_ =	shalt  }
0x5d: {  	_ =	shalt  }
0x5e: {  	_ =	shalt  }
0x5f: {  	_ =	shalt  }
0x60: {  	_ =	shalt  }
0x61: {  	_ =	shalt  }
0x62: {  	_ =	shalt  }
0x63: {  	_ =	shalt  }
0x64: {  	_ =	shalt  }
0x65: {  	_ =	shalt  }
0x66: {  	_ =	shalt  }
0x67: {  	_ =	shalt  }
0x68: {  	_ =	shalt  }
0x69: {  	_ =	shalt  }
0x6a: {  	_ =	shalt  }
0x6b: {  	_ =	shalt  }
0x6c: {  	_ =	shalt  }
0x6d: {  	_ =	shalt  }
0x6e: {  	_ =	shalt  }
0x6f: {  	_ =	shalt  }
0x70: {  	_ =	shalt  }
0x71: {  	_ =	shalt  }
0x72: {  	_ =	shalt  }
0x73: {  	_ =	shalt  }
0x74: {  	_ =	shalt  }
0x75: {  	_ =	shalt  }
0x76: {  	_ =	shalt  }
0x77: {  	_ =	shalt  }
0x78: {  	_ =	shalt  }
0x79: {  	_ =	shalt  }
0x7a: {  	_ =	shalt  }
0x7b: {  	_ =	shalt  }
0x7c: {  	_ =	shalt  }
0x7d: {  	_ =	shalt  }
0x7e: {  	_ =	shalt  }
0x7f: {  	_ =	shalt  }
0x80: {  	_ =	shalt  }
0x81: {  	_ =	shalt  }
0x82: {  	_ =	shalt  }
0x83: {  	_ =	shalt  }
0x84: {  	_ =	shalt  }
0x85: {  	_ =	shalt  }
0x86: {  	_ =	shalt  }
0x87: {  	_ =	shalt  }
.Lfunc_end0:
.L_simem_size_0:
called_computation_lowered:
.L_overlay_start_0:
0x88: {  	s2 =	sld [smem:$0x3FD9]  }
0x89: {  	s3 =	sld [smem:$0x3FFE];
	_ =	sdelay $0x1  }
0x8a: {  	s1 =	srdreg.scid  }
0x8b: {  	s0 =	sand.u32 $0x1, s1  }
0x8c: {  	s17 =	sshll.u32 s0, $0xA;
	s2 =	sadd.s32 s3, s2  }
0x8d: {  	s2 =	sadd.s32 s2, s17  }
0x8e: {  	[smem:$0x3FC5] =	sst s2  }
0x8f: {  	_ = 	snop  }
0x90: {  	s2 =	sld [smem:$0x3FC8]  }
0x91: {  	s18 =	sld [smem:$0x3FC7]  }
0x92: {  	s4 =	sld [smem:$0x3FD0];
	(tm) =	ssettm $0x1  }
0x93: {  	s5 =	sld [smem:$0x3FFB];
	_ =	sdelay $0x3  }
0x94: {  	_ =	strace s5  }
0x95: {  	s5 =	sld [smem:$0x3FFC];
	_ =	sdelay $0x3  }
0x96: {  	_ =	strace s5  }
0x97: {  	s5 =	sld [smem:$0x3FFD];
	_ =	sdelay $0x3  }
0x98: {  	_ =	strace s5  }
0x99: {  	_ =	strace $0x8FFFFFFF  }
0x9a: {  	s19 =	sld [smem:$0x3FDB];
	_ =	sdelay $0x1  }
0x9b: {  	s6 =	simm.s32 $_scs_section_size  }
0x9c: {  	s7 =	simm.s32 $_size__tile_overlayer_lowered;
	s8 =	simm.s32 $_tile_overlayer_lowered  }
0x9d: {  	s22 =	simm.s32 $0x1BFF;
	s21 =	sshll.u32 s8, $0x1;
	s5 =	sadd.s32 s6, s19  }
0x9e: {  	s9 =	simm.s32 $0x0;
	s20 =	sshll.u32 s7, $0x1;
	s7 =	sadd.s32 s21, s5  }
0x9f: {  	[timem:s9], [sflag:s22] =	dma.local [hbm:s7], s20  }
0xa0: {  	_ =	swait.ge [sflag:s22], s20  }
0xa1: {  	s6 =	ssub.s32 $0x0, s20;
	[sflag:s22] =	ssyncset.done $0x0  }
0xa2: {  	[sflag:s22] =	ssyncadd.s32 s6;
	_ =	sdelay $0x1  }
0xa3: {  	s23 =	simm.s32 $0x1B8B  }
0xa4: {  	_ =	swait.ge [sflag:s23], $0x1  }
0xa5: {  	[sflag:s23] =	ssyncset.done $0x0  }
0xa6: {  	s25 =	simm.s32 $0x1B8E;
	s24 =	sld [smem:$0x3FFE];
	[sflag:s23] =	ssyncadd.s32 $0xFFFFFFFF  }
0xa7: {  	s26 =	simm.s32 $execute0_lowered;
	[smem:$0x3FD2] =	sst s25  }
0xa8: {  	s7 =	sshll.u32 s26, $0x1;
	_ =	strace $0x80000046;
	[dreg:$0x1] =	wrdreg $0xFFFFFFFF  }
0xa9: {  	s28 =	simm.s32 $_size_execute0_lowered;
	s5 =	sadd.s32 s5, s7;
	[dreg:$0x0] =	wrdreg $0x0  }
0xaa: {  	s7 =	sshll.u32 s28, $0x1;
	[dreg:$0x2] =	wrdreg s5  }
0xab: {  	[dreg:$0x3] =	wrdreg s7  }
0xac: {  	[dreg:$0x4] =	wrdreg $0xC0  }
0xad: {  	_ =	task [dreg:s9], $0x5FFFF  }
0xae: {  	[dreg:$0x1] =	wrdreg $0xFFFFFFFF  }
0xaf: {  	[dreg:$0x0] =	wrdreg $0x60  }
0xb0: {  	[dreg:$0x2] =	wrdreg s4  }
0xb1: {  	[dreg:$0x3] =	wrdreg s2  }
0xb2: {  	[dreg:$0x4] =	wrdreg s18  }
0xb3: {  	[dreg:$0x5] =	wrdreg s24  }
0xb4: {  	[dreg:$0x6] =	wrdreg $0x9  }
0xb5: {  	_ =	task.clear_ibuf [dreg:s9], $0x7FFFF;
	_ =	strace $0x90000046  }
0xb6: {  	s29 =	simm.s32 $0x9;
	_ =	strace $0x80000048  }
0xb7: {  	_ =	swait.ge [sflag:s29], $0x1  }
0xb8: {  	[sflag:s29] =	ssyncadd.s32 $0xFFFFFFFF  }
0xb9: {  	_ =	strace $0x90000048  }
0xba: {  	_ =	sfence  }
0xbb: {  	s30 =	sld [smem:$0x0];
	_ =	sdelay $0x2  }
0xbc: {  	s31 =	sshll.u32 s1, $0xD;
	s1 =	sshrl.u32 s1, $0x2  }
0xbd: {  	s3 =	sand.u32 $0x4000, s31;
	s1 =	sadd.s32 s1, s30  }
0xbe: {  	s0 =	sor.u32 s3, s0;
	s1 =	sshll.u32 s1, $0x11  }
0xbf: {  	s0 =	sor.u32 s1, s0  }
0xc0: {  	s0 =	sadd.s32 $0x8F2B, s0  }
0xc1: {  	[sflag:s0] =	ssyncadd.remote.s32 $0x1  }
0xc2: {  	_ =	sfence.sel $0xFFFF  }
0xc3: {  	[dreg:$0x0] =	wrdreg $0xFFFFFFFF;
	(pc) =	sbr.abs _section_cstart, $3  }
0xc4: {  	[dreg:$0x1] =	wrdreg $0xFFFFFFFF  }
0xc5: {  	_ =	task.clear_ibuf [dreg:s9], $0x2FFFF;
	_ =	strace $0x9FFFFFFF  }
0xc6: {  	(tm) =	ssettm $0x7FFFFFFF  }
0xc7: {  	_ =	shalt  }
tec
execute0_lowered:
.L_overlay_start_1:
0x0: {  	(tag) =	ssettag $0x1  }
0x1: {  	v0 =	vimm.s32 $0xEFCDAB89;
	v1 =	vimm.s32 $0x67452301  }
0x2: {  	v2 =	vimm.s32 $0xDCFE98BA;
	v3 =	vimm.s32 $0x54761032;
	v4 =	vimm.s32 $0xBA98FEDC  }
0x3: {  	v5 =	vimm.s32 $0x32107654;
	v6 =	vimm.s32 $0xFEDCBA98;
	v7 =	vimm.s32 $0x76543210  }
0x4: {  	v0 =	vunpack.c.l.s4.s8 v0;
	v1 =	vunpack.c.l.s4.s8 v1;
	v2 =	vunpack.c.l.s4.s8 v2  }
0x5: {  	v3 =	vunpack.c.l.s4.s8 v3;
	v4 =	vunpack.c.l.s4.s8 v4;
	v5 =	vunpack.c.l.s4.s8 v5  }
0x6: {  	v6 =	vunpack.c.l.s4.s8 v6;
	v7 =	vunpack.c.l.s4.s8 v7;
	v0 =	vunpack.c.0.s8.s32 v0  }
0x7: {  	v1 =	vunpack.c.0.s8.s32 v1;
	v2 =	vunpack.c.0.s8.s32 v2;
	v3 =	vunpack.c.0.s8.s32 v3  }
0x8: {  	v4 =	vunpack.c.0.s8.s32 v4;
	v5 =	vunpack.c.0.s8.s32 v5;
	v6 =	vunpack.c.0.s8.s32 v6  }
0x9: {  	v7 =	vunpack.c.0.s8.s32 v7;
	v0 =	vcombine.low v1, v0;
	v1 =	vcombine.low v3, v2  }
0xa: {  	s0 =	rddreg [dreg:$0x3];
	v2 =	vcombine.low v5, v4;
	v8 =	vand.u32 $0xF, v6;
	v6 =	vlaneseq.u32  }
0xb: {  	s4 =	simm.s32 $0x0;
	s1 =	srdreg.scid;
	s5 =	stileid.u32;
	v7 =	vcombine.low v8, v7;
	v8 =	vor.u32 $0x10, v6;
	v9 =	vor.u32 $0x20, v6  }
0xc: {  	s10 =	simm.s32 $0x1;
	s11 =	simm.s32 $0x100;
	s13 =	simm.s32 $0x8200;
	v10 =	vor.u32 $0x30, v6;
	v11 =	vor.u32 $0x40, v6;
	v12 =	vor.u32 $0x50, v6  }
0xd: {  	s14 =	simm.s32 $0x400;
	s15 =	simm.s32 $0x20000;
	s1 =	sand.u32 $0x1, s1;
	v13 =	vor.u32 $0x60, v6;
	v14 =	vor.u32 $0x70, v6;
	v15 =	vmul.u32 $0xC9, v6  }
0xe: {  	s16 =	simm.s32 $0xE680;
	s17 =	simm.s32 $0x14A80;
	s2 =	ssub.s32 $0x2, s1;
	v16 =	vor.u32 $0x80, v6;
	v17 =	vor.u32 $0x90, v6;
	v18 =	vor.u32 $0xA0, v6  }
0xf: {  	[smem:$0x7FF] =	sst s4;
	s6 =	sadd.s32 $0xA00, s0;
	s3 =	sshrl.u32 s2, $0x1;
	v19 =	vor.u32 $0xB0, v6;
	v20 =	vadd.s32 $0xB8, v6;
	v3 =	vand.u32 $0xF, v0  }
0x10: {  	s30 =	sshll.u32 s5, $0xA;
	s7 =	sadd.s32 $0x64A00, s0;
	s2 =	ssub.s32 s2, s3;
	v4 =	vand.u32 $0xF, v1;
	v5 =	vand.u32 $0xF, v2;
	v21 =	vadd.s32 $0xC90, v15  }
0x11: {  	_ =	strace $0x80000047;
	s1 =	sshll.u32 s1, $0x9;
	s31 =	smax.u32 s2, $0x1;
	v22 =	vadd.s32 $0x1920, v15;
	v23 =	vadd.s32 $0x25B0, v15;
	v24 =	vadd.s32 $0x3240, v15  }
0x12: {  	s8 =	sor.u32 s1, s30;
	s1 =	simm.s32 $0x0;
	[dreg:$0x5] =	wrdreg s31;
	v25 =	vadd.s32 $0x3ED0, v15;
	v26 =	vadd.s32 $0x4B60, v15;
	v27 =	vadd.s32 $0x57F0, v15  }
.LBB2_1:
0x13: {  	[dreg:$0x6] =	wrdreg s1  }
0x14: {  	s0 =	rddreg [dreg:$0x1]  }
0x15: {  	[tilespmem:s4], [sflag:$0x1] =	stream.linear.gather [hbm4b:s0+s4], $0x100, $0x38;
	[tilespmem:$0x1AE80] =	vst v63  }
0x16: {  	_ =	swait.ge [sflag:s10], $0x100  }
0x17: {  	[sflag:s10] =	ssyncset.done $0x0  }
0x18: {  	[sflag:s10] =	ssyncadd.s32 $0xFFFFFF00  }
0x19: {  	s29 =	rddreg [dreg:$0x2]  }
0x1a: {  	[tilespmem:s11], [sflag:$0x1] =	stream.linear.gather [hbm4b:s29+s4], $0x100, $0x38;
	[tilespmem:$0x1AE80] =	vst v63  }
0x1b: {  	_ =	swait.ge [sflag:s10], $0x100  }
0x1c: {  	[sflag:s10] =	ssyncset.done $0x0  }
0x1d: {  	[sflag:s10] =	ssyncadd.s32 $0xFFFFFF00  }
0x1e: {  	v28 =	vld [tilespmem:$0x0]  }
0x1f: {  	v29 =	vld [tilespmem:$0x100]  }
0x20: {  	v30 =	vld [tilespmem:$0x10]  }
0x21: {  	v31 =	vld [tilespmem:$0x110]  }
0x22: {  	v32 =	vld [tilespmem:$0x20]  }
0x23: {  	v33 =	vld [tilespmem:$0x120];
	v28 =	vadd.f32 $0.0e+00, v28  }
0x24: {  	v34 =	vld [tilespmem:$0x30]  }
0x25: {  	v35 =	vld [tilespmem:$0x40];
	v29 =	vadd.f32 $0.0e+00, v29;
	v28 =	vadd.f32 v30, v28  }
0x26: {  	v30 =	vld [tilespmem:$0x130]  }
0x27: {  	v45 =	vld [tilespmem:$0x50];
	v29 =	vadd.f32 v31, v29;
	v28 =	vadd.f32 v32, v28  }
0x28: {  	v31 =	vld [tilespmem:$0x140]  }
0x29: {  	v46 =	vld [tilespmem:$0x150];
	v29 =	vadd.f32 v33, v29;
	v28 =	vadd.f32 v34, v28  }
0x2a: {  	v47 =	vld [tilespmem:$0x60]  }
0x2b: {  	v48 =	vld [tilespmem:$0x70];
	v29 =	vadd.f32 v30, v29;
	v28 =	vadd.f32 v35, v28  }
0x2c: {  	v30 =	vld [tilespmem:$0x160]  }
0x2d: {  	v49 =	vld [tilespmem:$0x80];
	v29 =	vadd.f32 v31, v29;
	v28 =	vadd.f32 v45, v28  }
0x2e: {  	v31 =	vld [tilespmem:$0x170]  }
0x2f: {  	v50 =	vld [tilespmem:$0x180];
	v29 =	vadd.f32 v46, v29;
	v28 =	vadd.f32 v47, v28  }
0x30: {  	v51 =	vld [tilespmem:$0x90]  }
0x31: {  	v52 =	vld [tilespmem:$0xA0];
	v29 =	vadd.f32 v30, v29;
	v28 =	vadd.f32 v48, v28  }
0x32: {  	v30 =	vld [tilespmem:$0x190]  }
0x33: {  	v53 =	vld [tilespmem:$0xB0];
	v29 =	vadd.f32 v31, v29;
	v28 =	vadd.f32 v49, v28  }
0x34: {  	v31 =	vld [tilespmem:$0x1A0]  }
0x35: {  	v54 =	vld [tilespmem:$0x1B0];
	v29 =	vadd.f32 v50, v29;
	v28 =	vadd.f32 v51, v28  }
0x36: {  	v55 =	vld [tilespmem:$0xC0]  }
0x37: {  	v56 =	vld [tilespmem:$0xD0];
	v29 =	vadd.f32 v30, v29;
	v28 =	vadd.f32 v52, v28  }
0x38: {  	v30 =	vld [tilespmem:$0x1C0]  }
0x39: {  	v57 =	vld [tilespmem:$0xE0];
	v29 =	vadd.f32 v31, v29;
	v28 =	vadd.f32 v53, v28  }
0x3a: {  	v31 =	vld [tilespmem:$0x1D0]  }
0x3b: {  	v58 =	vld [tilespmem:$0x1E0];
	v29 =	vadd.f32 v54, v29;
	v28 =	vadd.f32 v55, v28  }
0x3c: {  	v59 =	vld [tilespmem:$0xF0]  }
0x3d: {  	v29 =	vadd.f32 v30, v29;
	v28 =	vadd.f32 v56, v28  }
0x3e: {  	v30 =	vld [tilespmem:$0x1F0]  }
0x3f: {  	v29 =	vadd.f32 v31, v29;
	v28 =	vadd.f32 v57, v28;
	_ =	sdelay $0x1  }
0x40: {  	v29 =	vadd.f32 v58, v29;
	v28 =	vadd.f32 v59, v28;
	_ =	sdelay $0x1  }
0x41: {  	v29 =	vadd.f32 v30, v29;
	v30 =	vperm.xlane v28, v3;
	_ =	sdelay $0x1  }
0x42: {  	v28 =	vadd.f32 v30, v28  }
0x43: {  	v30 =	vperm.xlane v29, v3  }
0x44: {  	v31 =	vperm.xlane v28, v4  }
0x45: {  	v29 =	vadd.f32 v30, v29  }
0x46: {  	v28 =	vadd.f32 v31, v28  }
0x47: {  	v30 =	vperm.xlane v29, v4  }
0x48: {  	v31 =	vperm.xlane v28, v5  }
0x49: {  	v29 =	vadd.f32 v30, v29  }
0x4a: {  	v28 =	vadd.f32 v31, v28  }
0x4b: {  	v30 =	vperm.xlane v29, v5  }
0x4c: {  	s30 =	simm.s32 $0x0;
	v31 =	vperm.xlane v28, v7  }
0x4d: {  	v29 =	vadd.f32 v30, v29;
	v30 =	vld [tilespmem:s30+$0x0]  }
0x4e: {  	v28 =	vadd.f32 v31, v28  }
0x4f: {  	v31 =	vperm.xlane v29, v7  }
0x50: {  	v60 =	vld [tilespmem:s30+$0x100];
	v28 =	vmul.f32 $3.906250000e-03, v28  }
0x51: {  	v29 =	vadd.f32 v31, v29  }
0x52: {  	v30 =	vsub.f32 v30, v28  }
0x53: {  	s31 =	simm.s32 $0x10;
	v29 =	vmul.f32 $3.906250000e-03, v29  }
0x54: {  	v62 =	vmul.f32 v30, v30;
	v30 =	vld [tilespmem:s31+$0x0]  }
0x55: {  	v61 =	vsub.f32 v60, v29  }
0x56: {  	v63 =	vimm.f32 $0.0e+00;
	v31 =	vld [tilespmem:s31+$0x100]  }
0x57: {  	s0 =	simm.s32 $0x80;
	v32 =	vadd.f32 v62, v63;
	v33 =	vmul.f32 v61, v61  }
.LBB2_2:
0x58: {  	p0 =	sne.s32 s0, $0x3C0  }
.Ltmp0:
0x59: {  	s1 =	sshra.s32 s0, $0x2;
	s0 =	sadd.s32 $0x40, s0;
	v34 =	vsub.f32 v30, v28;
	v32 =	vadd.f32 v33, v32;
	(pc) =	sbr.rel @p0 .LBB2_2-.Ltmp0, $4  }
0x5a: {  	v30 =	vld [tilespmem:s1+$0x0]  }
0x5b: {  	v33 =	vsub.f32 v31, v29;
	v34 =	vmul.f32 v34, v34  }
0x5c: {  	v31 =	vld [tilespmem:s1+$0x100]  }
0x5d: {  	v32 =	vadd.f32 v34, v32;
	v33 =	vmul.f32 v33, v33  }
0x5e: {  	_ = 	snop  }
0x5f: {  	v30 =	vsub.f32 v30, v28;
	_ =	sdelay $0x1  }
0x60: {  	v32 =	vadd.f32 v33, v32;
	v31 =	vsub.f32 v31, v29;
	v30 =	vmul.f32 v30, v30;
	_ =	sdelay $0x1  }
0x61: {  	v30 =	vadd.f32 v30, v32;
	v31 =	vmul.f32 v31, v31;
	_ =	sdelay $0x1  }
0x62: {  	v30 =	vadd.f32 v31, v30;
	_ =	sdelay $0x1  }
0x63: {  	v31 =	vperm.xlane v30, v0;
	_ =	sdelay $0x1  }
0x64: {  	v30 =	vadd.f32 v31, v30;
	_ =	sdelay $0x1  }
0x65: {  	v31 =	vperm.xlane v30, v1;
	_ =	sdelay $0x1  }
0x66: {  	v30 =	vadd.f32 v31, v30;
	_ =	sdelay $0x1  }
0x67: {  	v31 =	vperm.xlane v30, v2;
	_ =	sdelay $0x1  }
0x68: {  	v30 =	vadd.f32 v31, v30;
	_ =	sdelay $0x1  }
0x69: {  	v31 =	vperm.xlane v30, v7;
	_ =	sdelay $0x1  }
0x6a: {  	v30 =	vadd.f32 v31, v30;
	_ =	sdelay $0x1  }
0x6b: {  	v30 =	vmul.f32 $3.906250000e-03, v30;
	_ =	sdelay $0x1  }
0x6c: {  	v31 =	vshrl.u32 v30, $0x1;
	v62 =	vmul.f32 $5.000000000e-01, v30  }
0x6d: {  	v31 =	vsub.s32 $0x5F3759DF, v31  }
0x6e: {  	v63 =	vmul.f32 v31, v62;
	_ =	sdelay $0x1  }
0x6f: {  	v33 =	vmul.f32 v31, v63;
	_ =	sdelay $0x1  }
0x70: {  	v33 =	vsub.f32 $1.500000000e+00, v33;
	_ =	sdelay $0x1  }
0x71: {  	v31 =	vmul.f32 v31, v33;
	_ =	sdelay $0x1  }
0x72: {  	v33 =	vmul.f32 v31, v62;
	_ =	sdelay $0x1  }
0x73: {  	v33 =	vmul.f32 v33, v31;
	_ =	sdelay $0x1  }
0x74: {  	v33 =	vsub.f32 $1.500000000e+00, v33;
	_ =	sdelay $0x1  }
0x75: {  	v31 =	vmul.f32 v33, v31;
	_ =	sdelay $0x1  }
0x76: {  	v33 =	vmul.f32 v31, v62;
	_ =	sdelay $0x1  }
0x77: {  	v33 =	vmul.f32 v33, v31;
	_ =	sdelay $0x1  }
0x78: {  	v33 =	vsub.f32 $1.500000000e+00, v33;
	_ =	sdelay $0x1  }
0x79: {  	v31 =	vmul.f32 v33, v31;
	_ =	sdelay $0x1  }
0x7a: {  	v32 =	vmul.f32 v31, v62;
	_ =	sdelay $0x1  }
0x7b: {  	v32 =	vmul.f32 v32, v31;
	_ =	sdelay $0x1  }
0x7c: {  	v32 =	vsub.f32 $1.500000000e+00, v32;
	_ =	sdelay $0x1  }
0x7d: {  	v31 =	vmul.f32 v32, v31  }
0x7e: {  	s0 =	simm.s32 $0x0;
	vm0 =	vgt.f32 v30, $0.0e+00  }
0x7f: {  	s19 =	simm.s32 $0x0;
	s1 =	simm.s32 $0x40;
	v30 =	vnsel vm0, $0x0, v31;
	v31 =	vld [tilespmem:s0+$0x0]  }
.LBB2_4:
0x80: {  	p0 =	sne.s32 s1, $0x3C0;
	v32 =	vld [tilespmem:s0+$0x100];
	_ =	sdelay $0x3  }
0x81: {  	v31 =	vsub.f32 v31, v28  }
.Ltmp1:
0x82: {  	v32 =	vsub.f32 v32, v29;
	(pc) =	sbr.rel @p0 .LBB2_4-.Ltmp1, $4  }
0x83: {  	v31 =	vmul.f32 v31, v30  }
0x84: {  	v32 =	vmul.f32 v32, v30  }
0x85: {  	s2 =	sshra.s32 s1, $0x2;
	[tilespmem:s0+$0x0] =	vst v31  }
0x86: {  	s1 =	sadd.s32 $0x40, s1;
	v31 =	vld [tilespmem:s2+$0x0];
	[tilespmem:s0+$0x100] =	vst v32;
	s0 =	smov.u32 s2  }
0x87: {  	v32 =	vld [tilespmem:s0+$0x100];
	_ =	sdelay $0x3  }
0x88: {  	v28 =	vsub.f32 v31, v28  }
0x89: {  	v29 =	vsub.f32 v32, v29  }
0x8a: {  	v28 =	vmul.f32 v28, v30  }
0x8b: {  	v29 =	vmul.f32 v29, v30  }
0x8c: {  	[tilespmem:s0+$0x0] =	vst v28  }
0x8d: {  	[tilespmem:s0+$0x100] =	vst v29  }
.LBB2_6:
0x8e: {  	s0 =	sshll.u32 s19, $0x7  }
0x8f: {  	s20 =	sadd.s32 s8, s0  }
0x90: {  	s1 =	rddreg [dreg:$0x0];
	s0 =	sshll.u32 s20, $0x5  }
0x91: {  	s22 =	simm.s32 $0x0;
	s21 =	simm.s32 $0x200;
	s0 =	sadd.s32 s1, s0  }
0x92: {  	[tilespmem:s21], [sflag:$0x1] =	stream.linear.gather [hbm4b:s0+s22], $0x8000, $0x38;
	[tilespmem:$0x1AE80] =	vst v63  }
0x93: {  	s23 =	simm.s32 $0x80;
	s24 =	sand.u32 $0x7800, s22;
	_ =	swait.ge [sflag:s10], $0x8000  }
0x94: {  	s2 =	sand.u32 $0x380, s23;
	s1 =	sor.u32 $0x200, s24;
	[sflag:s10] =	ssyncset.done $0x0  }
0x95: {  	s0 =	simm.s32 $0xC9;
	s12 =	sadd.s32 s2, s1;
	[sflag:s10] =	ssyncadd.s32 $0xFFFF8000  }
0x96: {  	s25 =	simm.s32 $0x0;
	v29 =	vadd.s32 s0, v6;
	v28 =	vld [tilespmem:s12+$0x0]  }
0x97: {  	s2 =	sand.u32 $0x300, s25  }
0x98: {  	s24 =	simm.s32 $0x0;
	s1 =	sadd.s32 s2, s1  }
0x99: {  	v30 =	vadd.s32 s24, v6;
	v31 =	vld [tilespmem:s1+$0x0];
	_ =	sdelay $0x1  }
0x9a: {  	[tilespmem:v29+s13+$0x0] =	vst.idx.msk $0xffff, v28  }
0x9b: {  	v29 =	vadd.s32 s0, v8;
	v28 =	vld [tilespmem:s12+$0x10];
	_ =	sdelay $0x1  }
0x9c: {  	[tilespmem:v30+s13+$0x0] =	vst.idx.msk $0xffff, v31  }
0x9d: {  	v30 =	vadd.s32 s24, v8;
	v31 =	vld [tilespmem:s1+$0x10];
	_ =	sdelay $0x1  }
0x9e: {  	[tilespmem:v29+s13+$0x0] =	vst.idx.msk $0xffff, v28  }
0x9f: {  	v29 =	vadd.s32 s0, v9;
	v28 =	vld [tilespmem:s12+$0x20];
	_ =	sdelay $0x1  }
0xa0: {  	[tilespmem:v30+s13+$0x0] =	vst.idx.msk $0xffff, v31  }
0xa1: {  	v30 =	vadd.s32 s24, v9;
	v31 =	vld [tilespmem:s1+$0x20];
	_ =	sdelay $0x1  }
0xa2: {  	[tilespmem:v29+s13+$0x0] =	vst.idx.msk $0xffff, v28  }
0xa3: {  	v29 =	vadd.s32 s0, v10;
	v28 =	vld [tilespmem:s12+$0x30];
	_ =	sdelay $0x1  }
0xa4: {  	[tilespmem:v30+s13+$0x0] =	vst.idx.msk $0xffff, v31  }
0xa5: {  	v30 =	vadd.s32 s24, v10;
	v31 =	vld [tilespmem:s1+$0x30]  }
0xa6: {  	s26 =	simm.s32 $0x200  }
0xa7: {  	s3 =	simm.s32 $0x180;
	s2 =	sand.u32 $0x7800, s26;
	[tilespmem:v29+s13+$0x0] =	vst.idx.msk $0xffff, v28  }
0xa8: {  	s28 =	sand.u32 $0x380, s3;
	s5 =	sor.u32 $0x200, s2;
	v29 =	vadd.s32 s0, v11;
	v28 =	vld [tilespmem:s12+$0x40]  }
0xa9: {  	s3 =	simm.s32 $0x25B;
	s2 =	sadd.s32 s28, s5  }
0xaa: {  	s9 =	simm.s32 $0x100;
	v33 =	vadd.s32 s3, v6;
	v32 =	vld [tilespmem:s2+$0x0];
	[tilespmem:v30+s13+$0x0] =	vst.idx.msk $0xffff, v31  }
0xab: {  	s9 =	sand.u32 $0x300, s9;
	v30 =	vadd.s32 s24, v11;
	v31 =	vld [tilespmem:s1+$0x40]  }
0xac: {  	s25 =	simm.s32 $0x192;
	s5 =	sadd.s32 s9, s5  }
0xad: {  	v34 =	vadd.s32 s25, v6;
	v35 =	vld [tilespmem:s5+$0x0];
	[tilespmem:v29+s13+$0x0] =	vst.idx.msk $0xffff, v28  }
0xae: {  	v29 =	vadd.s32 s0, v12;
	v28 =	vld [tilespmem:s12+$0x50]  }
0xaf: {  	[tilespmem:v33+s13+$0x0] =	vst.idx.msk $0xffff, v32  }
0xb0: {  	v49 =	vadd.s32 s3, v8;
	v32 =	vld [tilespmem:s2+$0x10];
	[tilespmem:v30+s13+$0x0] =	vst.idx.msk $0xffff, v31  }
0xb1: {  	v30 =	vadd.s32 s24, v12;
	v31 =	vld [tilespmem:s1+$0x50]  }
0xb2: {  	[tilespmem:v34+s13+$0x0] =	vst.idx.msk $0xffff, v35  }
0xb3: {  	v50 =	vadd.s32 s25, v8;
	v35 =	vld [tilespmem:s5+$0x10];
	[tilespmem:v29+s13+$0x0] =	vst.idx.msk $0xffff, v28  }
0xb4: {  	v29 =	vadd.s32 s0, v13;
	v28 =	vld [tilespmem:s12+$0x60]  }
0xb5: {  	[tilespmem:v49+s13+$0x0] =	vst.idx.msk $0xffff, v32  }
0xb6: {  	v51 =	vadd.s32 s3, v9;
	v32 =	vld [tilespmem:s2+$0x20];
	[tilespmem:v30+s13+$0x0] =	vst.idx.msk $0xffff, v31  }
0xb7: {  	v30 =	vadd.s32 s24, v13;
	v31 =	vld [tilespmem:s1+$0x60]  }
0xb8: {  	[tilespmem:v50+s13+$0x0] =	vst.idx.msk $0xffff, v35  }
0xb9: {  	v52 =	vadd.s32 s25, v9;
	v35 =	vld [tilespmem:s5+$0x20];
	[tilespmem:v29+s13+$0x0] =	vst.idx.msk $0xffff, v28  }
0xba: {  	v29 =	vadd.s32 s0, v14;
	v28 =	vld [tilespmem:s12+$0x70]  }
0xbb: {  	[tilespmem:v51+s13+$0x0] =	vst.idx.msk $0xffff, v32  }
0xbc: {  	v53 =	vadd.s32 s3, v10;
	v32 =	vld [tilespmem:s2+$0x30];
	[tilespmem:v30+s13+$0x0] =	vst.idx.msk $0xffff, v31  }
0xbd: {  	s29 =	simm.s32 $0x400;
	v30 =	vadd.s32 s24, v14;
	v31 =	vld [tilespmem:s1+$0x70]  }
0xbe: {  	s18 =	sand.u32 $0x7800, s29;
	s9 =	simm.s32 $0x280;
	[tilespmem:v52+s13+$0x0] =	vst.idx.msk $0xffff, v35  }
0xbf: {  	s23 =	sor.u32 $0x200, s18;
	v54 =	vadd.s32 s25, v10;
	s30 =	sand.u32 $0x380, s9;
	v35 =	vld [tilespmem:s5+$0x30];
	[tilespmem:v29+s13+$0x0] =	vst.idx.msk $0xffff, v28  }
0xc0: {  	s18 =	simm.s32 $0x3ED;
	s21 =	sadd.s32 s30, s23;
	v29 =	vadd.s32 s0, v16;
	v28 =	vld [tilespmem:s12+$0x400]  }
0xc1: {  	v37 =	vadd.s32 s18, v6;
	s26 =	simm.s32 $0x200;
	v36 =	vld [tilespmem:s21+$0x0];
	[tilespmem:v53+s13+$0x0] =	vst.idx.msk $0xffff, v32  }
0xc2: {  	v55 =	vadd.s32 s3, v11;
	s26 =	sand.u32 $0x300, s26;
	v32 =	vld [tilespmem:s2+$0x40];
	[tilespmem:v30+s13+$0x0] =	vst.idx.msk $0xffff, v31  }
0xc3: {  	s31 =	simm.s32 $0x324;
	s23 =	sadd.s32 s26, s23;
	v30 =	vadd.s32 s24, v16;
	v31 =	vld [tilespmem:s1+$0x400]  }
0xc4: {  	v38 =	vadd.s32 s31, v6;
	v39 =	vld [tilespmem:s23+$0x0];
	[tilespmem:v54+s13+$0x0] =	vst.idx.msk $0xffff, v35  }
0xc5: {  	v56 =	vadd.s32 s25, v11;
	v35 =	vld [tilespmem:s5+$0x40];
	[tilespmem:v29+s13+$0x0] =	vst.idx.msk $0xffff, v28  }
0xc6: {  	[tilespmem:v37+s13+$0x0] =	vst.idx.msk $0xffff, v36;
	v29 =	vadd.s32 s0, v17;
	v28 =	vld [tilespmem:s12+$0x410]  }
0xc7: {  	v58 =	vadd.s32 s18, v8;
	v36 =	vld [tilespmem:s21+$0x10];
	[tilespmem:v55+s13+$0x0] =	vst.idx.msk $0xffff, v32  }
0xc8: {  	v57 =	vadd.s32 s3, v12;
	v32 =	vld [tilespmem:s2+$0x50];
	[tilespmem:v30+s13+$0x0] =	vst.idx.msk $0xffff, v31  }
0xc9: {  	[tilespmem:v38+s13+$0x0] =	vst.idx.msk $0xffff, v39;
	v30 =	vadd.s32 s24, v17;
	v31 =	vld [tilespmem:s1+$0x410]  }
0xca: {  	v60 =	vadd.s32 s31, v8;
	v39 =	vld [tilespmem:s23+$0x10];
	[tilespmem:v56+s13+$0x0] =	vst.idx.msk $0xffff, v35  }
0xcb: {  	v59 =	vadd.s32 s25, v12;
	v35 =	vld [tilespmem:s5+$0x50];
	[tilespmem:v29+s13+$0x0] =	vst.idx.msk $0xffff, v28  }
0xcc: {  	[tilespmem:v58+s13+$0x0] =	vst.idx.msk $0xffff, v36;
	v29 =	vadd.s32 s0, v18;
	v28 =	vld [tilespmem:s12+$0x420]  }
0xcd: {  	v40 =	vadd.s32 s18, v9;
	v37 =	vld [tilespmem:s21+$0x20];
	[tilespmem:v57+s13+$0x0] =	vst.idx.msk $0xffff, v32  }
0xce: {  	v61 =	vadd.s32 s3, v13;
	v32 =	vld [tilespmem:s2+$0x60];
	[tilespmem:v30+s13+$0x0] =	vst.idx.msk $0xffff, v31  }
0xcf: {  	[tilespmem:v60+s13+$0x0] =	vst.idx.msk $0xffff, v39;
	v30 =	vadd.s32 s24, v18;
	v31 =	vld [tilespmem:s1+$0x420]  }
0xd0: {  	v46 =	vadd.s32 s31, v9;
	v48 =	vld [tilespmem:s23+$0x20];
	[tilespmem:v59+s13+$0x0] =	vst.idx.msk $0xffff, v35  }
0xd1: {  	v62 =	vadd.s32 s25, v13;
	v35 =	vld [tilespmem:s5+$0x60];
	[tilespmem:v29+s13+$0x0] =	vst.idx.msk $0xffff, v28  }
0xd2: {  	v45 =	vadd.s32 s0, v19;
	[tilespmem:v40+s13+$0x0] =	vst.idx.msk $0xffff, v37;
	v63 =	vld [tilespmem:s12+$0x430]  }
0xd3: {  	v43 =	vadd.s32 s31, v10;
	v50 =	vld [tilespmem:s21+$0x30];
	[tilespmem:v61+s13+$0x0] =	vst.idx.msk $0xffff, v32  }
0xd4: {  	v42 =	vadd.s32 s31, v11;
	v41 =	vadd.s32 s31, v12;
	v54 =	vadd.s32 s3, v14;
	v49 =	vld [tilespmem:s2+$0x70];
	[tilespmem:v30+s13+$0x0] =	vst.idx.msk $0xffff, v31  }
0xd5: {  	v44 =	vadd.s32 s31, v14;
	v34 =	vadd.s32 s31, v20;
	[tilespmem:v46+s13+$0x0] =	vst.idx.msk $0xffff, v48;
	v53 =	vadd.s32 s24, v19;
	v55 =	vld [tilespmem:s1+$0x430]  }
0xd6: {  	v33 =	vadd.s32 s25, v17;
	v38 =	vadd.s32 s25, v14;
	v52 =	vadd.s32 s18, v10;
	v51 =	vld [tilespmem:s23+$0x30];
	[tilespmem:v62+s13+$0x0] =	vst.idx.msk $0xffff, v35  }
0xd7: {  	v36 =	vadd.s32 s25, v16;
	v39 =	vadd.s32 s31, v16;
	v40 =	vadd.s32 s31, v13;
	v47 =	vld [tilespmem:s5+$0x70];
	[tilespmem:v45+s13+$0x0] =	vst.idx.msk $0xffff, v63  }
0xd8: {  	v37 =	vadd.s32 s31, v17;
	v46 =	vadd.s32 s0, v20;
	v35 =	vadd.s32 s31, v18;
	v45 =	vld [tilespmem:s12+$0x438]  }
0xd9: {  	v32 =	vadd.s32 s31, v19;
	[tilespmem:v54+s13+$0x0] =	vst.idx.msk $0xffff, v49;
	v49 =	vadd.s32 s3, v16;
	v28 =	vadd.s32 s24, v20  }
0xda: {  	v48 =	vld [tilespmem:s2+$0x400];
	s0 =	simm.s32 $0x3ED;
	v31 =	vadd.s32 s25, v18;
	v30 =	vadd.s32 s25, v19;
	v29 =	vadd.s32 s25, v20;
	s24 =	simm.s32 $0x600;
	[tilespmem:v53+s13+$0x0] =	vst.idx.msk $0xffff, v55;
	s12 =	simm.s32 $0x4  }
.LBB2_7:
0xdb: {  	s25 =	sand.u32 $0x7800, s24;
	s12 =	sadd.s32 $0x2, s12;
	[tilespmem:v52+s13+$0x0] =	vst.idx.msk $0xffff, v50;
	s9 =	sadd.s32 $0x100, s9;
	v50 =	vld [tilespmem:s1+$0x438]  }
0xdc: {  	v53 =	vadd.s32 s18, v11;
	s26 =	sor.u32 $0x200, s25;
	s1 =	sand.u32 $0x380, s9;
	p0 =	slt.u32 s12, $0x7E;
	v52 =	vld [tilespmem:s21+$0x40];
	[tilespmem:v38+s13+$0x0] =	vst.idx.msk $0xffff, v47;
	v38 =	vmov v44  }
0xdd: {  	s18 =	sadd.s32 $0x192, s18;
	s28 =	sadd.s32 $0xFFFFFF80, s9;
	s25 =	sadd.s32 s1, s26;
	v47 =	vld [tilespmem:s5+$0x400];
	[tilespmem:v46+s13+$0x0] =	vst.idx.msk $0xffff, v45  }
0xde: {  	s29 =	sadd.s32 $0xFFFFFF37, s18;
	s28 =	sand.u32 $0x300, s28;
	v46 =	vadd.s32 s18, v6;
	s1 =	smov.u32 s5;
	v45 =	vld [tilespmem:s25+$0x0];
	[tilespmem:v43+s13+$0x0] =	vst.idx.msk $0xffff, v51  }
0xdf: {  	v54 =	vadd.s32 s29, v8;
	v55 =	vadd.s32 s29, v9;
	s5 =	smov.u32 s23;
	v51 =	vadd.s32 s29, v6;
	v56 =	vld [tilespmem:s23+$0x40];
	[tilespmem:v49+s13+$0x0] =	vst.idx.msk $0xffff, v48;
	s23 =	sadd.s32 s28, s26  }
0xe0: {  	v57 =	vadd.s32 s3, v17;
	v43 =	vadd.s32 s29, v10;
	v48 =	vadd.s32 s29, v11;
	v49 =	vld [tilespmem:s2+$0x410];
	[tilespmem:v28+s13+$0x0] =	vst.idx.msk $0xffff, v50;
	v28 =	vmovc v29;
	v29 =	vmovc v34  }
0xe1: {  	v58 =	vadd.s32 s29, v12;
	v59 =	vadd.s32 s29, v13;
	v44 =	vadd.s32 s29, v14;
	v50 =	vld [tilespmem:s23+$0x0];
	[tilespmem:v53+s13+$0x0] =	vst.idx.msk $0xffff, v52  }
0xe2: {  	v60 =	vadd.s32 s0, v12;
	v52 =	vadd.s32 s29, v17;
	v53 =	vld [tilespmem:s21+$0x50];
	[tilespmem:v36+s13+$0x0] =	vst.idx.msk $0xffff, v47;
	v36 =	vmovc v39;
	v39 =	vadd.s32 s29, v16  }
0xe3: {  	v61 =	vadd.s32 s29, v19;
	v34 =	vadd.s32 s29, v20;
	v47 =	vadd.s32 s29, v18;
	[tilespmem:v46+s13+$0x0] =	vst.idx.msk $0xffff, v45;
	v45 =	vld [tilespmem:s1+$0x410]  }
0xe4: {  	v62 =	vadd.s32 s18, v8;
	v46 =	vld [tilespmem:s25+$0x10];
	[tilespmem:v42+s13+$0x0] =	vst.idx.msk $0xffff, v56;
	v42 =	vmov v48  }
0xe5: {  	v48 =	vld [tilespmem:s5+$0x50];
	[tilespmem:v57+s13+$0x0] =	vst.idx.msk $0xffff, v49  }
0xe6: {  	[tilespmem:v51+s13+$0x0] =	vst.idx.msk $0xffff, v50;
	v49 =	vld [tilespmem:s2+$0x420];
	v50 =	vadd.s32 s3, v18  }
0xe7: {  	v51 =	vld [tilespmem:s23+$0x10];
	[tilespmem:v60+s13+$0x0] =	vst.idx.msk $0xffff, v53  }
0xe8: {  	v56 =	vadd.s32 s0, v13;
	v53 =	vld [tilespmem:s21+$0x60];
	[tilespmem:v33+s13+$0x0] =	vst.idx.msk $0xffff, v45;
	v33 =	vmov v37;
	v37 =	vmov v52  }
0xe9: {  	[tilespmem:v62+s13+$0x0] =	vst.idx.msk $0xffff, v46;
	v45 =	vld [tilespmem:s1+$0x420]  }
0xea: {  	v52 =	vadd.s32 s18, v9;
	v46 =	vld [tilespmem:s25+$0x20];
	[tilespmem:v41+s13+$0x0] =	vst.idx.msk $0xffff, v48;
	v41 =	vmov v58  }
0xeb: {  	v48 =	vld [tilespmem:s5+$0x60];
	[tilespmem:v50+s13+$0x0] =	vst.idx.msk $0xffff, v49  }
0xec: {  	[tilespmem:v54+s13+$0x0] =	vst.idx.msk $0xffff, v51;
	v49 =	vld [tilespmem:s2+$0x430];
	v51 =	vadd.s32 s3, v19  }
0xed: {  	v54 =	vld [tilespmem:s23+$0x20];
	[tilespmem:v56+s13+$0x0] =	vst.idx.msk $0xffff, v53  }
0xee: {  	v56 =	vadd.s32 s0, v14;
	v53 =	vld [tilespmem:s21+$0x70];
	[tilespmem:v31+s13+$0x0] =	vst.idx.msk $0xffff, v45;
	v31 =	vmov v35;
	v35 =	vmov v47  }
0xef: {  	[tilespmem:v52+s13+$0x0] =	vst.idx.msk $0xffff, v46;
	v57 =	vld [tilespmem:s1+$0x430]  }
.Ltmp2:
0xf0: {  	v52 =	vadd.s32 s18, v10;
	v50 =	vld [tilespmem:s25+$0x30];
	[tilespmem:v40+s13+$0x0] =	vst.idx.msk $0xffff, v48;
	v40 =	vmov v59;
	(pc) =	sbr.rel @p0 .LBB2_7-.Ltmp2, $4  }
0xf1: {  	v47 =	vld [tilespmem:s5+$0x70];
	[tilespmem:v51+s13+$0x0] =	vst.idx.msk $0xffff, v49  }
0xf2: {  	v46 =	vadd.s32 s3, v20;
	s3 =	smov.u32 s0;
	[tilespmem:v55+s13+$0x0] =	vst.idx.msk $0xffff, v54;
	v45 =	vld [tilespmem:s2+$0x438];
	s2 =	smov.u32 s21;
	s21 =	smov.u32 s25  }
0xf3: {  	s0 =	smov.u32 s18;
	v51 =	vld [tilespmem:s23+$0x30];
	[tilespmem:v56+s13+$0x0] =	vst.idx.msk $0xffff, v53  }
0xf4: {  	s24 =	sadd.s32 $0x200, s24;
	v49 =	vadd.s32 s3, v16;
	v48 =	vld [tilespmem:s2+$0x400];
	[tilespmem:v30+s13+$0x0] =	vst.idx.msk $0xffff, v57;
	v30 =	vmov v32;
	v32 =	vmov v61  }
0xf5: {  	_ =	sdelay $0x3  }
0xf6: {  	[tilespmem:v52+s13+$0x0] =	vst.idx.msk $0xffff, v50  }
0xf7: {  	v56 =	vadd.s32 s18, v11;
	v50 =	vld [tilespmem:s21+$0x40];
	[tilespmem:v43+s13+$0x0] =	vst.idx.msk $0xffff, v51  }
0xf8: {  	v43 =	vld [tilespmem:s23+$0x40];
	_ =	sdelay $0x3  }
0xf9: {  	[tilespmem:v56+s13+$0x0] =	vst.idx.msk $0xffff, v50  }
0xfa: {  	v57 =	vadd.s32 s0, v12;
	v50 =	vld [tilespmem:s21+$0x50];
	[tilespmem:v42+s13+$0x0] =	vst.idx.msk $0xffff, v43  }
0xfb: {  	v42 =	vld [tilespmem:s23+$0x50];
	_ =	sdelay $0x3  }
0xfc: {  	[tilespmem:v57+s13+$0x0] =	vst.idx.msk $0xffff, v50  }
0xfd: {  	v59 =	vadd.s32 s0, v13;
	v58 =	vld [tilespmem:s21+$0x60];
	[tilespmem:v41+s13+$0x0] =	vst.idx.msk $0xffff, v42  }
0xfe: {  	v41 =	vld [tilespmem:s23+$0x60];
	_ =	sdelay $0x3  }
0xff: {  	[tilespmem:v59+s13+$0x0] =	vst.idx.msk $0xffff, v58  }
0x100: {  	v61 =	vadd.s32 s0, v14;
	v60 =	vld [tilespmem:s21+$0x70];
	[tilespmem:v40+s13+$0x0] =	vst.idx.msk $0xffff, v41  }
0x101: {  	v40 =	vld [tilespmem:s23+$0x70];
	_ =	sdelay $0x1  }
0x102: {  	[tilespmem:v38+s13+$0x0] =	vst.idx.msk $0xffff, v47  }
0x103: {  	v38 =	vld [tilespmem:s5+$0x400]  }
0x104: {  	[tilespmem:v61+s13+$0x0] =	vst.idx.msk $0xffff, v60  }
0x105: {  	v63 =	vadd.s32 s0, v16;
	v62 =	vld [tilespmem:s21+$0x400];
	[tilespmem:v44+s13+$0x0] =	vst.idx.msk $0xffff, v40  }
0x106: {  	v40 =	vld [tilespmem:s23+$0x400];
	_ =	sdelay $0x1  }
0x107: {  	[tilespmem:v36+s13+$0x0] =	vst.idx.msk $0xffff, v38  }
0x108: {  	[tilespmem:v49+s13+$0x0] =	vst.idx.msk $0xffff, v48;
	v36 =	vld [tilespmem:s5+$0x410]  }
0x109: {  	v49 =	vld [tilespmem:s2+$0x410];
	v50 =	vadd.s32 s3, v17;
	[tilespmem:v63+s13+$0x0] =	vst.idx.msk $0xffff, v62  }
0x10a: {  	v52 =	vadd.s32 s0, v17;
	v51 =	vld [tilespmem:s21+$0x410];
	[tilespmem:v39+s13+$0x0] =	vst.idx.msk $0xffff, v40  }
0x10b: {  	v39 =	vld [tilespmem:s23+$0x410];
	_ =	sdelay $0x1  }
0x10c: {  	[tilespmem:v33+s13+$0x0] =	vst.idx.msk $0xffff, v36  }
0x10d: {  	v33 =	vld [tilespmem:s5+$0x420];
	[tilespmem:v50+s13+$0x0] =	vst.idx.msk $0xffff, v49  }
0x10e: {  	v54 =	vadd.s32 s3, v18;
	v53 =	vld [tilespmem:s2+$0x420];
	[tilespmem:v52+s13+$0x0] =	vst.idx.msk $0xffff, v51  }
0x10f: {  	v56 =	vadd.s32 s0, v18;
	v55 =	vld [tilespmem:s21+$0x420];
	[tilespmem:v37+s13+$0x0] =	vst.idx.msk $0xffff, v39  }
0x110: {  	v37 =	vld [tilespmem:s23+$0x420];
	_ =	sdelay $0x1  }
0x111: {  	[tilespmem:v31+s13+$0x0] =	vst.idx.msk $0xffff, v33  }
0x112: {  	v31 =	vld [tilespmem:s5+$0x430];
	[tilespmem:v54+s13+$0x0] =	vst.idx.msk $0xffff, v53  }
0x113: {  	v58 =	vadd.s32 s3, v19;
	v57 =	vld [tilespmem:s2+$0x430];
	[tilespmem:v56+s13+$0x0] =	vst.idx.msk $0xffff, v55  }
0x114: {  	v60 =	vadd.s32 s0, v19;
	v59 =	vld [tilespmem:s21+$0x430];
	[tilespmem:v35+s13+$0x0] =	vst.idx.msk $0xffff, v37  }
0x115: {  	v35 =	vld [tilespmem:s23+$0x430];
	_ =	sdelay $0x1  }
0x116: {  	v61 =	vld [tilespmem:s1+$0x438];
	[tilespmem:v30+s13+$0x0] =	vst.idx.msk $0xffff, v31  }
0x117: {  	v30 =	vld [tilespmem:s5+$0x438];
	[tilespmem:v58+s13+$0x0] =	vst.idx.msk $0xffff, v57  }
0x118: {  	v62 =	vld [tilespmem:s2+$0x438];
	v63 =	vadd.s32 s3, v20;
	[tilespmem:v60+s13+$0x0] =	vst.idx.msk $0xffff, v59  }
0x119: {  	v41 =	vadd.s32 s0, v20;
	v31 =	vld [tilespmem:s21+$0x438];
	[tilespmem:v32+s13+$0x0] =	vst.idx.msk $0xffff, v35  }
0x11a: {  	s12 =	simm.s32 $0x1;
	[tilespmem:v46+s13+$0x0] =	vst.idx.msk $0xffff, v45;
	v32 =	vld [tilespmem:s23+$0x438]  }
0x11b: {  	[tilespmem:v28+s13+$0x0] =	vst.idx.msk $0xffff, v61;
	v28 =	vadd.s32 s12, v15  }
0x11c: {  	[tilespmem:v29+s13+$0x0] =	vst.idx.msk $0xffff, v30  }
0x11d: {  	v29 =	vadd.s32 s22, v15;
	[tilespmem:v63+s13+$0x0] =	vst.idx.msk $0xffff, v62  }
0x11e: {  	[tilespmem:v41+s13+$0x0] =	vst.idx.msk $0xffff, v31  }
0x11f: {  	[tilespmem:v34+s13+$0x0] =	vst.idx.msk $0xffff, v32  }
0x120: {  	v28 =	vld.idx.msk [tilespmem:v28+s13+$0x0], $0xffff;
	_ =	sdelay $0x1  }
0x121: {  	v29 =	vld.idx.msk [tilespmem:v29+s13+$0x0], $0xffff;
	_ =	sdelay $0x5  }
0x122: {  	v30 =	vld.idx.msk [tilespmem:v28+s4+$0x0], $0xffff;
	_ =	sdelay $0x1  }
0x123: {  	v31 =	vld.idx.msk [tilespmem:v29+s4+$0x0], $0xffff;
	_ =	sdelay $0x1  }
0x124: {  	s18 =	simm.s32 $0xE700  }
0x125: {  	[tilespmem:s18+$0x0] =	vst v30  }
0x126: {  	v28 =	vld.idx.msk [tilespmem:v28+s11+$0x0], $0xffff  }
0x127: {  	[tilespmem:s18+$0xFFFFFF80] =	vst v31;
	v30 =	vadd.s32 s12, v21  }
0x128: {  	v29 =	vld.idx.msk [tilespmem:v29+s11+$0x0], $0xffff  }
0x129: {  	v31 =	vadd.s32 s22, v21  }
0x12a: {  	s21 =	simm.s32 $0x14B00  }
0x12b: {  	[tilespmem:s21+$0x0] =	vst v28  }
0x12c: {  	v28 =	vld.idx.msk [tilespmem:v30+s13+$0x0], $0xffff  }
0x12d: {  	[tilespmem:s21+$0xFFFFFF80] =	vst v29  }
0x12e: {  	v29 =	vld.idx.msk [tilespmem:v31+s13+$0x0], $0xffff;
	_ =	sdelay $0x5  }
0x12f: {  	v30 =	vld.idx.msk [tilespmem:v28+s4+$0x0], $0xffff;
	_ =	sdelay $0x1  }
0x130: {  	v31 =	vld.idx.msk [tilespmem:v29+s4+$0x0], $0xffff;
	_ =	sdelay $0x2  }
0x131: {  	[tilespmem:s18+$0x10] =	vst v30  }
0x132: {  	v28 =	vld.idx.msk [tilespmem:v28+s11+$0x0], $0xffff  }
0x133: {  	[tilespmem:s18+$0xFFFFFF90] =	vst v31;
	v30 =	vadd.s32 s12, v22  }
0x134: {  	v29 =	vld.idx.msk [tilespmem:v29+s11+$0x0], $0xffff  }
0x135: {  	s31 =	simm.s32 $0x3;
	v31 =	vadd.s32 s22, v22  }
0x136: {  	s30 =	simm.s32 $0x2;
	v42 =	vadd.s32 s31, v15  }
0x137: {  	v43 =	vadd.s32 s30, v15;
	[tilespmem:s21+$0x10] =	vst v28  }
0x138: {  	v28 =	vld.idx.msk [tilespmem:v30+s13+$0x0], $0xffff  }
0x139: {  	[tilespmem:s21+$0xFFFFFF90] =	vst v29  }
0x13a: {  	v29 =	vld.idx.msk [tilespmem:v31+s13+$0x0], $0xffff  }
0x13b: {  	v30 =	vld.idx.msk [tilespmem:v42+s13+$0x0], $0xffff  }
0x13c: {  	v31 =	vld.idx.msk [tilespmem:v43+s13+$0x0], $0xffff;
	_ =	sdelay $0x3  }
0x13d: {  	v44 =	vld.idx.msk [tilespmem:v28+s4+$0x0], $0xffff;
	_ =	sdelay $0x1  }
0x13e: {  	v45 =	vld.idx.msk [tilespmem:v29+s4+$0x0], $0xffff  }
0x13f: {  	v34 =	vld.idx.msk [tilespmem:v30+s4+$0x0], $0xffff  }
0x140: {  	v35 =	vld.idx.msk [tilespmem:v31+s4+$0x0], $0xffff  }
0x141: {  	[tilespmem:s18+$0x20] =	vst v44  }
0x142: {  	v28 =	vld.idx.msk [tilespmem:v28+s11+$0x0], $0xffff  }
0x143: {  	v46 =	vadd.s32 s12, v23;
	s23 =	simm.s32 $0xE800;
	[tilespmem:s18+$0xFFFFFFA0] =	vst v45  }
0x144: {  	[tilespmem:s23+$0x0] =	vst v34;
	v29 =	vld.idx.msk [tilespmem:v29+s11+$0x0], $0xffff  }
0x145: {  	v47 =	vadd.s32 s22, v23;
	[tilespmem:s23+$0xFFFFFF80] =	vst v35;
	v30 =	vld.idx.msk [tilespmem:v30+s11+$0x0], $0xffff  }
0x146: {  	v48 =	vadd.s32 s31, v21;
	v31 =	vld.idx.msk [tilespmem:v31+s11+$0x0], $0xffff  }
0x147: {  	[tilespmem:s21+$0x20] =	vst v28;
	v28 =	vadd.s32 s30, v21  }
0x148: {  	v32 =	vld.idx.msk [tilespmem:v46+s13+$0x0], $0xffff  }
0x149: {  	s24 =	simm.s32 $0x14C00;
	[tilespmem:s21+$0xFFFFFFA0] =	vst v29  }
0x14a: {  	[tilespmem:s24+$0x0] =	vst v30;
	v29 =	vld.idx.msk [tilespmem:v47+s13+$0x0], $0xffff  }
0x14b: {  	[tilespmem:s24+$0xFFFFFF80] =	vst v31;
	v30 =	vld.idx.msk [tilespmem:v48+s13+$0x0], $0xffff  }
0x14c: {  	v28 =	vld.idx.msk [tilespmem:v28+s13+$0x0], $0xffff;
	_ =	sdelay $0x3  }
0x14d: {  	v31 =	vld.idx.msk [tilespmem:v32+s4+$0x0], $0xffff;
	_ =	sdelay $0x1  }
0x14e: {  	v33 =	vld.idx.msk [tilespmem:v29+s4+$0x0], $0xffff  }
0x14f: {  	v34 =	vld.idx.msk [tilespmem:v30+s4+$0x0], $0xffff  }
0x150: {  	v35 =	vld.idx.msk [tilespmem:v28+s4+$0x0], $0xffff  }
0x151: {  	[tilespmem:s18+$0x30] =	vst v31  }
0x152: {  	v31 =	vld.idx.msk [tilespmem:v32+s11+$0x0], $0xffff  }
0x153: {  	[tilespmem:s18+$0xFFFFFFB0] =	vst v33  }
0x154: {  	v49 =	vadd.s32 s12, v24;
	[tilespmem:s23+$0x10] =	vst v34;
	v29 =	vld.idx.msk [tilespmem:v29+s11+$0x0], $0xffff  }
0x155: {  	v50 =	vadd.s32 s22, v24;
	v30 =	vld.idx.msk [tilespmem:v30+s11+$0x0], $0xffff;
	[tilespmem:s23+$0xFFFFFF90] =	vst v35  }
0x156: {  	v51 =	vadd.s32 s31, v22;
	v28 =	vld.idx.msk [tilespmem:v28+s11+$0x0], $0xffff  }
0x157: {  	s28 =	simm.s32 $0x5;
	[tilespmem:s21+$0x30] =	vst v31;
	v31 =	vadd.s32 s30, v22  }
0x158: {  	s29 =	simm.s32 $0x4;
	v52 =	vadd.s32 s28, v15  }
0x159: {  	[tilespmem:s21+$0xFFFFFFB0] =	vst v29;
	v29 =	vadd.s32 s29, v15;
	v32 =	vld.idx.msk [tilespmem:v49+s13+$0x0], $0xffff  }
0x15a: {  	[tilespmem:s24+$0x10] =	vst v30;
	v30 =	vld.idx.msk [tilespmem:v50+s13+$0x0], $0xffff  }
0x15b: {  	v53 =	vld.idx.msk [tilespmem:v51+s13+$0x0], $0xffff;
	[tilespmem:s24+$0xFFFFFF90] =	vst v28  }
0x15c: {  	v28 =	vld.idx.msk [tilespmem:v31+s13+$0x0], $0xffff  }
0x15d: {  	v31 =	vld.idx.msk [tilespmem:v52+s13+$0x0], $0xffff  }
0x15e: {  	v29 =	vld.idx.msk [tilespmem:v29+s13+$0x0], $0xffff;
	_ =	sdelay $0x2  }
0x15f: {  	s3 =	simm.s32 $0x6;
	v54 =	vld.idx.msk [tilespmem:v32+s4+$0x0], $0xffff  }
0x160: {  	v51 =	vadd.s32 s3, v15;
	v55 =	vld.idx.msk [tilespmem:v30+s4+$0x0], $0xffff  }
0x161: {  	v36 =	vld.idx.msk [tilespmem:v53+s4+$0x0], $0xffff  }
0x162: {  	v37 =	vld.idx.msk [tilespmem:v28+s4+$0x0], $0xffff  }
0x163: {  	v38 =	vld.idx.msk [tilespmem:v31+s4+$0x0], $0xffff  }
0x164: {  	v56 =	vld.idx.msk [tilespmem:v29+s4+$0x0], $0xffff;
	[tilespmem:s18+$0x40] =	vst v54  }
0x165: {  	[tilespmem:s18+$0xFFFFFFC0] =	vst v55;
	v55 =	vld.idx.msk [tilespmem:v51+s13+$0x0], $0xffff  }
0x166: {  	v32 =	vld.idx.msk [tilespmem:v32+s11+$0x0], $0xffff  }
0x167: {  	v57 =	vadd.s32 s12, v25;
	[tilespmem:s23+$0x20] =	vst v36;
	v30 =	vld.idx.msk [tilespmem:v30+s11+$0x0], $0xffff  }
0x168: {  	s25 =	simm.s32 $0xE900;
	v58 =	vadd.s32 s22, v25;
	v33 =	vld.idx.msk [tilespmem:v53+s11+$0x0], $0xffff;
	[tilespmem:s23+$0xFFFFFFA0] =	vst v37  }
0x169: {  	[tilespmem:s25+$0x0] =	vst v38;
	v28 =	vld.idx.msk [tilespmem:v28+s11+$0x0], $0xffff  }
0x16a: {  	v59 =	vadd.s32 s31, v23;
	[tilespmem:s25+$0xFFFFFF80] =	vst v56;
	v31 =	vld.idx.msk [tilespmem:v31+s11+$0x0], $0xffff  }
0x16b: {  	v60 =	vadd.s32 s30, v23;
	v29 =	vld.idx.msk [tilespmem:v29+s11+$0x0], $0xffff;
	[tilespmem:s21+$0x40] =	vst v32  }
0x16c: {  	v62 =	vadd.s32 s28, v21;
	[tilespmem:s21+$0xFFFFFFC0] =	vst v30;
	v61 =	vld.idx.msk [tilespmem:v57+s13+$0x0], $0xffff  }
0x16d: {  	s5 =	simm.s32 $0x7;
	v63 =	vadd.s32 s29, v21;
	v30 =	vld.idx.msk [tilespmem:v58+s13+$0x0], $0xffff  }
0x16e: {  	v53 =	vadd.s32 s5, v15;
	[tilespmem:s24+$0x20] =	vst v33;
	v58 =	vld.idx.msk [tilespmem:v55+s4+$0x0], $0xffff  }
0x16f: {  	s26 =	simm.s32 $0x14D00;
	v40 =	vld.idx.msk [tilespmem:v59+s13+$0x0], $0xffff;
	[tilespmem:s24+$0xFFFFFFA0] =	vst v28  }
0x170: {  	[tilespmem:s26+$0x0] =	vst v31;
	v28 =	vld.idx.msk [tilespmem:v60+s13+$0x0], $0xffff  }
0x171: {  	[tilespmem:s26+$0xFFFFFF80] =	vst v29;
	v31 =	vld.idx.msk [tilespmem:v62+s13+$0x0], $0xffff  }
0x172: {  	s9 =	simm.s32 $0xEA00;
	v29 =	vld.idx.msk [tilespmem:v63+s13+$0x0], $0xffff  }
0x173: {  	v36 =	vld.idx.msk [tilespmem:v53+s13+$0x0], $0xffff;
	[tilespmem:s9+$0xFFFFFF80] =	vst v58  }
0x174: {  	v33 =	vld.idx.msk [tilespmem:v55+s11+$0x0], $0xffff  }
0x175: {  	v41 =	vld.idx.msk [tilespmem:v61+s4+$0x0], $0xffff  }
0x176: {  	v42 =	vld.idx.msk [tilespmem:v30+s4+$0x0], $0xffff  }
0x177: {  	v43 =	vld.idx.msk [tilespmem:v40+s4+$0x0], $0xffff  }
0x178: {  	v44 =	vld.idx.msk [tilespmem:v28+s4+$0x0], $0xffff  }
0x179: {  	v38 =	vld.idx.msk [tilespmem:v31+s4+$0x0], $0xffff  }
0x17a: {  	v45 =	vld.idx.msk [tilespmem:v29+s4+$0x0], $0xffff;
	[tilespmem:s18+$0x50] =	vst v41  }
0x17b: {  	[tilespmem:s18+$0xFFFFFFD0] =	vst v42;
	v32 =	vld.idx.msk [tilespmem:v61+s11+$0x0], $0xffff  }
0x17c: {  	v46 =	vadd.s32 s12, v26;
	[tilespmem:s23+$0x30] =	vst v43;
	v30 =	vld.idx.msk [tilespmem:v30+s11+$0x0], $0xffff  }
0x17d: {  	v35 =	vld.idx.msk [tilespmem:v40+s11+$0x0], $0xffff;
	[tilespmem:s23+$0xFFFFFFB0] =	vst v44  }
0x17e: {  	v48 =	vadd.s32 s31, v24;
	[tilespmem:s25+$0x10] =	vst v38;
	v28 =	vld.idx.msk [tilespmem:v28+s11+$0x0], $0xffff  }
0x17f: {  	v47 =	vadd.s32 s22, v26;
	v43 =	vld.idx.msk [tilespmem:v36+s4+$0x0], $0xffff;
	[tilespmem:s25+$0xFFFFFF90] =	vst v45  }
0x180: {  	v49 =	vadd.s32 s30, v24;
	v31 =	vld.idx.msk [tilespmem:v31+s11+$0x0], $0xffff;
	[tilespmem:s21+$0x50] =	vst v32  }
0x181: {  	v50 =	vadd.s32 s28, v22;
	[tilespmem:s21+$0xFFFFFFD0] =	vst v30;
	v34 =	vld.idx.msk [tilespmem:v46+s13+$0x0], $0xffff  }
0x182: {  	v29 =	vld.idx.msk [tilespmem:v29+s11+$0x0], $0xffff;
	[tilespmem:s24+$0x30] =	vst v35  }
0x183: {  	v52 =	vadd.s32 s29, v22;
	[tilespmem:s24+$0xFFFFFFB0] =	vst v28;
	v28 =	vld.idx.msk [tilespmem:v48+s13+$0x0], $0xffff  }
0x184: {  	v30 =	vld.idx.msk [tilespmem:v47+s13+$0x0], $0xffff  }
0x185: {  	v47 =	vadd.s32 s3, v21;
	[tilespmem:s26+$0x10] =	vst v31;
	v31 =	vld.idx.msk [tilespmem:v49+s13+$0x0], $0xffff  }
0x186: {  	[tilespmem:s9+$0x0] =	vst v43;
	v54 =	vld.idx.msk [tilespmem:v50+s13+$0x0], $0xffff  }
0x187: {  	v36 =	vld.idx.msk [tilespmem:v36+s11+$0x0], $0xffff;
	[tilespmem:s26+$0xFFFFFF90] =	vst v29  }
0x188: {  	v45 =	vadd.s32 s22, v27;
	s22 =	simm.s32 $0x14E00;
	v35 =	vld.idx.msk [tilespmem:v52+s13+$0x0], $0xffff  }
0x189: {  	[tilespmem:s22+$0xFFFFFF80] =	vst v33;
	v29 =	vld.idx.msk [tilespmem:v34+s4+$0x0], $0xffff  }
0x18a: {  	v50 =	vld.idx.msk [tilespmem:v47+s13+$0x0], $0xffff  }
0x18b: {  	v57 =	vld.idx.msk [tilespmem:v28+s4+$0x0], $0xffff  }
0x18c: {  	v56 =	vld.idx.msk [tilespmem:v30+s4+$0x0], $0xffff  }
0x18d: {  	v39 =	vld.idx.msk [tilespmem:v31+s4+$0x0], $0xffff  }
0x18e: {  	v40 =	vld.idx.msk [tilespmem:v54+s4+$0x0], $0xffff;
	[tilespmem:s18+$0x60] =	vst v29  }
0x18f: {  	[tilespmem:s22+$0x0] =	vst v36;
	v29 =	vld.idx.msk [tilespmem:v34+s11+$0x0], $0xffff  }
0x190: {  	v59 =	vadd.s32 s12, v27;
	v41 =	vld.idx.msk [tilespmem:v35+s4+$0x0], $0xffff;
	[tilespmem:s23+$0x40] =	vst v57  }
0x191: {  	[tilespmem:s18+$0xFFFFFFE0] =	vst v56;
	v28 =	vld.idx.msk [tilespmem:v28+s11+$0x0], $0xffff  }
0x192: {  	v60 =	vadd.s32 s31, v25;
	v30 =	vld.idx.msk [tilespmem:v30+s11+$0x0], $0xffff;
	[tilespmem:s23+$0xFFFFFFC0] =	vst v39  }
0x193: {  	v44 =	vadd.s32 s5, v21;
	[tilespmem:s25+$0x20] =	vst v40;
	v31 =	vld.idx.msk [tilespmem:v31+s11+$0x0], $0xffff  }
0x194: {  	v61 =	vadd.s32 s30, v25;
	v32 =	vld.idx.msk [tilespmem:v54+s11+$0x0], $0xffff;
	[tilespmem:s21+$0x60] =	vst v29  }
0x195: {  	v62 =	vadd.s32 s28, v23;
	[tilespmem:s25+$0xFFFFFFA0] =	vst v41;
	v29 =	vld.idx.msk [tilespmem:v59+s13+$0x0], $0xffff  }
0x196: {  	v35 =	vld.idx.msk [tilespmem:v35+s11+$0x0], $0xffff;
	[tilespmem:s24+$0x40] =	vst v28  }
0x197: {  	[tilespmem:s21+$0xFFFFFFE0] =	vst v30;
	v28 =	vadd.s32 s29, v23;
	v63 =	vld.idx.msk [tilespmem:v60+s13+$0x0], $0xffff  }
0x198: {  	v30 =	vld.idx.msk [tilespmem:v44+s13+$0x0], $0xffff;
	[tilespmem:s24+$0xFFFFFFC0] =	vst v31  }
0x199: {  	[tilespmem:s26+$0x20] =	vst v32;
	v31 =	vld.idx.msk [tilespmem:v61+s13+$0x0], $0xffff  }
0x19a: {  	v46 =	vld.idx.msk [tilespmem:v62+s13+$0x0], $0xffff  }
0x19b: {  	v56 =	vld.idx.msk [tilespmem:v50+s4+$0x0], $0xffff;
	[tilespmem:s26+$0xFFFFFFA0] =	vst v35  }
0x19c: {  	v28 =	vld.idx.msk [tilespmem:v28+s13+$0x0], $0xffff  }
0x19d: {  	v48 =	vld.idx.msk [tilespmem:v29+s4+$0x0], $0xffff  }
0x19e: {  	v32 =	vld.idx.msk [tilespmem:v45+s13+$0x0], $0xffff  }
0x19f: {  	v49 =	vld.idx.msk [tilespmem:v63+s4+$0x0], $0xffff  }
0x1a0: {  	v54 =	vld.idx.msk [tilespmem:v30+s4+$0x0], $0xffff  }
0x1a1: {  	v51 =	vld.idx.msk [tilespmem:v31+s4+$0x0], $0xffff  }
0x1a2: {  	v52 =	vld.idx.msk [tilespmem:v46+s4+$0x0], $0xffff;
	[tilespmem:s18+$0x70] =	vst v48  }
0x1a3: {  	v29 =	vld.idx.msk [tilespmem:v29+s11+$0x0], $0xffff  }
0x1a4: {  	v53 =	vld.idx.msk [tilespmem:v28+s4+$0x0], $0xffff;
	[tilespmem:s23+$0x50] =	vst v49  }
0x1a5: {  	[tilespmem:s9+$0x10] =	vst v54;
	v33 =	vld.idx.msk [tilespmem:v63+s11+$0x0], $0xffff  }
0x1a6: {  	v57 =	vadd.s32 s31, v26;
	v55 =	vld.idx.msk [tilespmem:v32+s4+$0x0], $0xffff;
	[tilespmem:s23+$0xFFFFFFD0] =	vst v51  }
0x1a7: {  	v60 =	vld.idx.msk [tilespmem:v30+s11+$0x0], $0xffff;
	[tilespmem:s25+$0x30] =	vst v52  }
0x1a8: {  	[tilespmem:s21+$0x70] =	vst v29;
	v29 =	vld.idx.msk [tilespmem:v31+s11+$0x0], $0xffff  }
0x1a9: {  	v59 =	vadd.s32 s30, v26;
	v31 =	vld.idx.msk [tilespmem:v46+s11+$0x0], $0xffff;
	[tilespmem:s25+$0xFFFFFFB0] =	vst v53  }
0x1aa: {  	v61 =	vadd.s32 s28, v24;
	v58 =	vld.idx.msk [tilespmem:v28+s11+$0x0], $0xffff;
	[tilespmem:s24+$0x50] =	vst v33  }
0x1ab: {  	[tilespmem:s9+$0xFFFFFF90] =	vst v56;
	v62 =	vadd.s32 s29, v24;
	v30 =	vld.idx.msk [tilespmem:v57+s13+$0x0], $0xffff  }
0x1ac: {  	s2 =	simm.s32 $0x8;
	v34 =	vld.idx.msk [tilespmem:v50+s11+$0x0], $0xffff;
	[tilespmem:s18+$0xFFFFFFF0] =	vst v55;
	v63 =	vadd.s32 s5, v22  }
0x1ad: {  	v36 =	vadd.s32 s2, v15;
	v28 =	vld.idx.msk [tilespmem:v32+s11+$0x0], $0xffff;
	[tilespmem:s24+$0xFFFFFFD0] =	vst v29  }
0x1ae: {  	[tilespmem:s26+$0x30] =	vst v31;
	v29 =	vld.idx.msk [tilespmem:v59+s13+$0x0], $0xffff  }
0x1af: {  	v35 =	vadd.s32 s3, v22;
	s18 =	simm.s32 $0x9;
	v32 =	vld.idx.msk [tilespmem:v61+s13+$0x0], $0xffff;
	[tilespmem:s26+$0xFFFFFFB0] =	vst v58  }
0x1b0: {  	v37 =	vadd.s32 s18, v15;
	[tilespmem:s22+$0x10] =	vst v60;
	v31 =	vld.idx.msk [tilespmem:v62+s13+$0x0], $0xffff  }
0x1b1: {  	s0 =	simm.s32 $0xA;
	s1 =	simm.s32 $0xEA00;
	v33 =	vld.idx.msk [tilespmem:v63+s13+$0x0], $0xffff  }
.LBB2_9:
0x1b2: {  	p0 =	slt.u32 s0, $0xC6;
	v36 =	vld.idx.msk [tilespmem:v36+s13+$0x0], $0xffff;
	[tilespmem:s21+$0xFFFFFFF0] =	vst v28;
	s21 =	smov.u32 s24;
	s24 =	smov.u32 s26  }
0x1b3: {  	s26 =	smov.u32 s22;
	[tilespmem:s22+$0xFFFFFF90] =	vst v34;
	v28 =	vld.idx.msk [tilespmem:v30+s4+$0x0], $0xffff  }
0x1b4: {  	v34 =	vld.idx.msk [tilespmem:v35+s13+$0x0], $0xffff  }
0x1b5: {  	v35 =	vld.idx.msk [tilespmem:v37+s13+$0x0], $0xffff  }
0x1b6: {  	v37 =	vld.idx.msk [tilespmem:v29+s4+$0x0], $0xffff  }
0x1b7: {  	v38 =	vld.idx.msk [tilespmem:v32+s4+$0x0], $0xffff  }
0x1b8: {  	v39 =	vld.idx.msk [tilespmem:v31+s4+$0x0], $0xffff  }
0x1b9: {  	v40 =	vld.idx.msk [tilespmem:v33+s4+$0x0], $0xffff;
	[tilespmem:s23+$0x60] =	vst v28  }
0x1ba: {  	v28 =	vld.idx.msk [tilespmem:v30+s11+$0x0], $0xffff  }
0x1bb: {  	v30 =	vld.idx.msk [tilespmem:v36+s4+$0x0], $0xffff  }
0x1bc: {  	v41 =	vld.idx.msk [tilespmem:v34+s4+$0x0], $0xffff;
	[tilespmem:s23+$0xFFFFFFE0] =	vst v37;
	v37 =	vadd.s32 s31, v27;
	s31 =	smov.u32 s28;
	s28 =	smov.u32 s5;
	s5 =	smov.u32 s18  }
0x1bd: {  	v42 =	vld.idx.msk [tilespmem:v35+s4+$0x0], $0xffff;
	[tilespmem:s25+$0x40] =	vst v38  }
0x1be: {  	[tilespmem:s25+$0xFFFFFFC0] =	vst v39;
	v32 =	vld.idx.msk [tilespmem:v32+s11+$0x0], $0xffff  }
0x1bf: {  	[tilespmem:s9+$0x20] =	vst v40;
	v31 =	vld.idx.msk [tilespmem:v31+s11+$0x0], $0xffff  }
0x1c0: {  	v38 =	vadd.s32 s31, v25;
	v33 =	vld.idx.msk [tilespmem:v33+s11+$0x0], $0xffff;
	[tilespmem:s21+$0x60] =	vst v28  }
0x1c1: {  	v28 =	vld.idx.msk [tilespmem:v37+s13+$0x0], $0xffff  }
0x1c2: {  	s9 =	sadd.s32 $0x100, s9;
	v37 =	vadd.s32 s29, v25;
	[tilespmem:s1+$0xFFFFFFA0] =	vst v41;
	v29 =	vld.idx.msk [tilespmem:v29+s11+$0x0], $0xffff  }
0x1c3: {  	v39 =	vadd.s32 s28, v23;
	[tilespmem:s9+$0x0] =	vst v42;
	v34 =	vld.idx.msk [tilespmem:v34+s11+$0x0], $0xffff  }
0x1c4: {  	v35 =	vld.idx.msk [tilespmem:v35+s11+$0x0], $0xffff;
	[tilespmem:s24+$0x40] =	vst v32  }
0x1c5: {  	[tilespmem:s9+$0xFFFFFF80] =	vst v30;
	v30 =	vadd.s32 s3, v23;
	v32 =	vld.idx.msk [tilespmem:v38+s13+$0x0], $0xffff  }
0x1c6: {  	v38 =	vadd.s32 s5, v21;
	v36 =	vld.idx.msk [tilespmem:v36+s11+$0x0], $0xffff;
	[tilespmem:s24+$0xFFFFFFC0] =	vst v31  }
0x1c7: {  	[tilespmem:s22+$0x20] =	vst v33;
	v31 =	vld.idx.msk [tilespmem:v37+s13+$0x0], $0xffff;
	v33 =	vadd.s32 s30, v27;
	s30 =	smov.u32 s29;
	s29 =	smov.u32 s3;
	s3 =	smov.u32 s2  }
0x1c8: {  	s2 =	smov.u32 s0;
	v37 =	vld.idx.msk [tilespmem:v39+s13+$0x0], $0xffff;
	[tilespmem:s21+$0xFFFFFFE0] =	vst v29  }
0x1c9: {  	s22 =	sadd.s32 $0x100, s22;
	v29 =	vadd.s32 s3, v21;
	[tilespmem:s26+$0xFFFFFFA0] =	vst v34;
	v34 =	vld.idx.msk [tilespmem:v28+s4+$0x0], $0xffff  }
0x1ca: {  	[tilespmem:s22+$0x0] =	vst v35;
	v30 =	vld.idx.msk [tilespmem:v30+s13+$0x0], $0xffff  }
0x1cb: {  	v35 =	vld.idx.msk [tilespmem:v38+s13+$0x0], $0xffff  }
0x1cc: {  	[tilespmem:s22+$0xFFFFFF80] =	vst v36;
	v33 =	vld.idx.msk [tilespmem:v33+s13+$0x0], $0xffff  }
0x1cd: {  	v36 =	vld.idx.msk [tilespmem:v32+s4+$0x0], $0xffff  }
0x1ce: {  	v29 =	vld.idx.msk [tilespmem:v29+s13+$0x0], $0xffff  }
0x1cf: {  	v38 =	vld.idx.msk [tilespmem:v31+s4+$0x0], $0xffff;
	[tilespmem:s23+$0x70] =	vst v34  }
0x1d0: {  	v28 =	vld.idx.msk [tilespmem:v28+s11+$0x0], $0xffff  }
0x1d1: {  	v34 =	vld.idx.msk [tilespmem:v37+s4+$0x0], $0xffff  }
0x1d2: {  	v39 =	vld.idx.msk [tilespmem:v30+s4+$0x0], $0xffff  }
0x1d3: {  	v40 =	vld.idx.msk [tilespmem:v35+s4+$0x0], $0xffff;
	[tilespmem:s25+$0x50] =	vst v36  }
0x1d4: {  	v32 =	vld.idx.msk [tilespmem:v32+s11+$0x0], $0xffff  }
0x1d5: {  	[tilespmem:s25+$0xFFFFFFD0] =	vst v38;
	v36 =	vld.idx.msk [tilespmem:v33+s4+$0x0], $0xffff  }
0x1d6: {  	v41 =	vadd.s32 s31, v26;
	v38 =	vld.idx.msk [tilespmem:v29+s4+$0x0], $0xffff;
	[tilespmem:s21+$0x70] =	vst v28  }
0x1d7: {  	[tilespmem:s1+$0x30] =	vst v34;
	v31 =	vld.idx.msk [tilespmem:v31+s11+$0x0], $0xffff  }
0x1d8: {  	[tilespmem:s1+$0xFFFFFFB0] =	vst v39;
	v37 =	vld.idx.msk [tilespmem:v37+s11+$0x0], $0xffff  }
0x1d9: {  	[tilespmem:s9+$0x10] =	vst v40;
	v39 =	vld.idx.msk [tilespmem:v30+s11+$0x0], $0xffff;
	v40 =	vadd.s32 s30, v26  }
0x1da: {  	v43 =	vadd.s32 s28, v24;
	v42 =	vld.idx.msk [tilespmem:v35+s11+$0x0], $0xffff;
	[tilespmem:s24+$0x50] =	vst v32  }
0x1db: {  	v44 =	vadd.s32 s29, v24;
	v30 =	vld.idx.msk [tilespmem:v41+s13+$0x0], $0xffff;
	[tilespmem:s23+$0xFFFFFFF0] =	vst v36;
	s23 =	smov.u32 s25;
	s25 =	smov.u32 s1;
	s1 =	smov.u32 s9  }
0x1dc: {  	[tilespmem:s9+$0xFFFFFF90] =	vst v38;
	v38 =	vadd.s32 s5, v22;
	v28 =	vld.idx.msk [tilespmem:v33+s11+$0x0], $0xffff  }
.Ltmp3:
0x1dd: {  	v36 =	vadd.s32 s0, v15;
	v34 =	vld.idx.msk [tilespmem:v29+s11+$0x0], $0xffff;
	[tilespmem:s24+$0xFFFFFFD0] =	vst v31;
	(pc) =	sbr.rel @p0 .LBB2_9-.Ltmp3, $4  }
0x1de: {  	[tilespmem:s26+$0x30] =	vst v37;
	v29 =	vld.idx.msk [tilespmem:v40+s13+$0x0], $0xffff  }
0x1df: {  	s18 =	sadd.s32 $0x1, s0;
	v35 =	vadd.s32 s3, v22;
	[tilespmem:s26+$0xFFFFFFB0] =	vst v39;
	v32 =	vld.idx.msk [tilespmem:v43+s13+$0x0], $0xffff  }
0x1e0: {  	v37 =	vadd.s32 s18, v15;
	[tilespmem:s22+$0x10] =	vst v42;
	v31 =	vld.idx.msk [tilespmem:v44+s13+$0x0], $0xffff  }
0x1e1: {  	s0 =	sadd.s32 $0x2, s0;
	v33 =	vld.idx.msk [tilespmem:v38+s13+$0x0], $0xffff  }
0x1e2: {  	_ =	sdelay $0x3  }
0x1e3: {  	v37 =	vld.idx.msk [tilespmem:v37+s13+$0x0], $0xffff  }
0x1e4: {  	v36 =	vld.idx.msk [tilespmem:v36+s13+$0x0], $0xffff;
	_ =	sdelay $0x6  }
0x1e5: {  	v38 =	vld.idx.msk [tilespmem:v37+s4+$0x0], $0xffff  }
0x1e6: {  	v39 =	vld.idx.msk [tilespmem:v36+s4+$0x0], $0xffff;
	_ =	sdelay $0x2  }
0x1e7: {  	s12 =	sadd.s32 $0x100, s9  }
0x1e8: {  	[tilespmem:s12+$0x0] =	vst v38  }
0x1e9: {  	[tilespmem:s12+$0xFFFFFF80] =	vst v39;
	v37 =	vld.idx.msk [tilespmem:v37+s11+$0x0], $0xffff  }
0x1ea: {  	v54 =	vadd.s32 s18, v21;
	v36 =	vld.idx.msk [tilespmem:v36+s11+$0x0], $0xffff  }
0x1eb: {  	v55 =	vadd.s32 s2, v21;
	_ =	sdelay $0x1  }
0x1ec: {  	s0 =	sadd.s32 $0x100, s22  }
0x1ed: {  	[tilespmem:s0+$0x0] =	vst v37  }
0x1ee: {  	[tilespmem:s0+$0xFFFFFF80] =	vst v36;
	v37 =	vld.idx.msk [tilespmem:v54+s13+$0x0], $0xffff  }
0x1ef: {  	v36 =	vld.idx.msk [tilespmem:v55+s13+$0x0], $0xffff;
	_ =	sdelay $0x6  }
0x1f0: {  	v38 =	vld.idx.msk [tilespmem:v37+s4+$0x0], $0xffff  }
0x1f1: {  	v39 =	vld.idx.msk [tilespmem:v36+s4+$0x0], $0xffff;
	_ =	sdelay $0x3  }
0x1f2: {  	[tilespmem:s12+$0x10] =	vst v38  }
0x1f3: {  	[tilespmem:s12+$0xFFFFFF90] =	vst v39;
	v37 =	vld.idx.msk [tilespmem:v37+s11+$0x0], $0xffff  }
0x1f4: {  	v56 =	vadd.s32 s18, v22;
	v36 =	vld.idx.msk [tilespmem:v36+s11+$0x0], $0xffff  }
0x1f5: {  	v57 =	vadd.s32 s2, v22;
	[tilespmem:s22+$0xFFFFFF90] =	vst v34  }
0x1f6: {  	v34 =	vld.idx.msk [tilespmem:v35+s13+$0x0], $0xffff;
	_ =	sdelay $0x1  }
0x1f7: {  	[tilespmem:s0+$0x10] =	vst v37  }
0x1f8: {  	[tilespmem:s0+$0xFFFFFF90] =	vst v36;
	v58 =	vld.idx.msk [tilespmem:v56+s13+$0x0], $0xffff  }
0x1f9: {  	v36 =	vld.idx.msk [tilespmem:v57+s13+$0x0], $0xffff;
	_ =	sdelay $0x3  }
0x1fa: {  	v60 =	vld.idx.msk [tilespmem:v34+s4+$0x0], $0xffff;
	_ =	sdelay $0x1  }
0x1fb: {  	v59 =	vld.idx.msk [tilespmem:v33+s4+$0x0], $0xffff  }
0x1fc: {  	v61 =	vld.idx.msk [tilespmem:v58+s4+$0x0], $0xffff  }
0x1fd: {  	v40 =	vld.idx.msk [tilespmem:v36+s4+$0x0], $0xffff  }
0x1fe: {  	[tilespmem:s1+$0xFFFFFFA0] =	vst v60  }
0x1ff: {  	v34 =	vld.idx.msk [tilespmem:v34+s11+$0x0], $0xffff  }
0x200: {  	v44 =	vadd.s32 s3, v23;
	[tilespmem:s9+$0x20] =	vst v59  }
0x201: {  	v62 =	vld.idx.msk [tilespmem:v33+s11+$0x0], $0xffff;
	[tilespmem:s12+$0x20] =	vst v61  }
0x202: {  	v63 =	vadd.s32 s5, v23;
	[tilespmem:s12+$0xFFFFFFA0] =	vst v40;
	v35 =	vld.idx.msk [tilespmem:v58+s11+$0x0], $0xffff  }
0x203: {  	v45 =	vadd.s32 s18, v23;
	v36 =	vld.idx.msk [tilespmem:v36+s11+$0x0], $0xffff  }
0x204: {  	v46 =	vadd.s32 s2, v23;
	[tilespmem:s22+$0xFFFFFFA0] =	vst v34  }
0x205: {  	v34 =	vld.idx.msk [tilespmem:v44+s13+$0x0], $0xffff  }
0x206: {  	[tilespmem:s22+$0x20] =	vst v62  }
0x207: {  	v33 =	vld.idx.msk [tilespmem:v63+s13+$0x0], $0xffff;
	[tilespmem:s0+$0x20] =	vst v35  }
0x208: {  	[tilespmem:s0+$0xFFFFFFA0] =	vst v36;
	v35 =	vld.idx.msk [tilespmem:v45+s13+$0x0], $0xffff  }
0x209: {  	v36 =	vld.idx.msk [tilespmem:v46+s13+$0x0], $0xffff;
	_ =	sdelay $0x3  }
0x20a: {  	v38 =	vld.idx.msk [tilespmem:v34+s4+$0x0], $0xffff;
	_ =	sdelay $0x1  }
0x20b: {  	v37 =	vld.idx.msk [tilespmem:v33+s4+$0x0], $0xffff  }
0x20c: {  	v39 =	vld.idx.msk [tilespmem:v35+s4+$0x0], $0xffff  }
0x20d: {  	v40 =	vld.idx.msk [tilespmem:v36+s4+$0x0], $0xffff  }
0x20e: {  	[tilespmem:s1+$0xFFFFFFB0] =	vst v38  }
0x20f: {  	v34 =	vld.idx.msk [tilespmem:v34+s11+$0x0], $0xffff  }
0x210: {  	v48 =	vadd.s32 s3, v24;
	[tilespmem:s1+$0x30] =	vst v37  }
0x211: {  	v33 =	vld.idx.msk [tilespmem:v33+s11+$0x0], $0xffff;
	[tilespmem:s12+$0x30] =	vst v39  }
0x212: {  	v47 =	vadd.s32 s5, v24;
	[tilespmem:s12+$0xFFFFFFB0] =	vst v40;
	v35 =	vld.idx.msk [tilespmem:v35+s11+$0x0], $0xffff  }
0x213: {  	v49 =	vadd.s32 s18, v24;
	v36 =	vld.idx.msk [tilespmem:v36+s11+$0x0], $0xffff  }
0x214: {  	v50 =	vld.idx.msk [tilespmem:v30+s4+$0x0], $0xffff;
	v41 =	vadd.s32 s2, v24;
	[tilespmem:s22+$0xFFFFFFB0] =	vst v34  }
0x215: {  	v34 =	vld.idx.msk [tilespmem:v48+s13+$0x0], $0xffff  }
0x216: {  	v42 =	vld.idx.msk [tilespmem:v32+s4+$0x0], $0xffff;
	[tilespmem:s22+$0x30] =	vst v33  }
0x217: {  	v33 =	vld.idx.msk [tilespmem:v47+s13+$0x0], $0xffff;
	[tilespmem:s0+$0x30] =	vst v35  }
0x218: {  	[tilespmem:s0+$0xFFFFFFB0] =	vst v36;
	v35 =	vld.idx.msk [tilespmem:v49+s13+$0x0], $0xffff  }
0x219: {  	v36 =	vld.idx.msk [tilespmem:v41+s13+$0x0], $0xffff  }
0x21a: {  	v51 =	vld.idx.msk [tilespmem:v29+s4+$0x0], $0xffff  }
0x21b: {  	v52 =	vld.idx.msk [tilespmem:v31+s4+$0x0], $0xffff;
	[tilespmem:s23+$0x60] =	vst v50  }
0x21c: {  	v53 =	vld.idx.msk [tilespmem:v30+s11+$0x0], $0xffff  }
0x21d: {  	[tilespmem:s25+$0x40] =	vst v42;
	v56 =	vld.idx.msk [tilespmem:v34+s4+$0x0], $0xffff  }
0x21e: {  	v54 =	vld.idx.msk [tilespmem:v32+s11+$0x0], $0xffff  }
0x21f: {  	v60 =	vadd.s32 s28, v25;
	v55 =	vld.idx.msk [tilespmem:v33+s4+$0x0], $0xffff  }
0x220: {  	v57 =	vld.idx.msk [tilespmem:v35+s4+$0x0], $0xffff  }
0x221: {  	[tilespmem:s25+$0xFFFFFFC0] =	vst v52;
	v58 =	vld.idx.msk [tilespmem:v36+s4+$0x0], $0xffff  }
0x222: {  	v59 =	vld.idx.msk [tilespmem:v31+s11+$0x0], $0xffff;
	[tilespmem:s1+$0xFFFFFFC0] =	vst v56  }
0x223: {  	[tilespmem:s26+$0x40] =	vst v54;
	v34 =	vld.idx.msk [tilespmem:v34+s11+$0x0], $0xffff  }
0x224: {  	v63 =	vadd.s32 s3, v25;
	v37 =	vld.idx.msk [tilespmem:v60+s13+$0x0], $0xffff;
	[tilespmem:s1+$0x40] =	vst v55  }
0x225: {  	v61 =	vadd.s32 s29, v25;
	v33 =	vld.idx.msk [tilespmem:v33+s11+$0x0], $0xffff;
	[tilespmem:s12+$0x40] =	vst v57  }
0x226: {  	v62 =	vadd.s32 s5, v25;
	[tilespmem:s12+$0xFFFFFFC0] =	vst v58;
	v35 =	vld.idx.msk [tilespmem:v35+s11+$0x0], $0xffff  }
0x227: {  	[tilespmem:s23+$0xFFFFFFE0] =	vst v51;
	v45 =	vadd.s32 s18, v25;
	v44 =	vld.idx.msk [tilespmem:v36+s11+$0x0], $0xffff  }
0x228: {  	v29 =	vld.idx.msk [tilespmem:v29+s11+$0x0], $0xffff;
	v46 =	vadd.s32 s2, v25;
	[tilespmem:s22+$0xFFFFFFC0] =	vst v34  }
0x229: {  	[tilespmem:s26+$0xFFFFFFC0] =	vst v59;
	v48 =	vadd.s32 s30, v27;
	v34 =	vld.idx.msk [tilespmem:v63+s13+$0x0], $0xffff  }
0x22a: {  	[tilespmem:s22+$0x40] =	vst v33;
	v39 =	vld.idx.msk [tilespmem:v61+s13+$0x0], $0xffff  }
0x22b: {  	v47 =	vadd.s32 s31, v27;
	v40 =	vld.idx.msk [tilespmem:v62+s13+$0x0], $0xffff;
	[tilespmem:s0+$0x40] =	vst v35  }
0x22c: {  	[tilespmem:s0+$0xFFFFFFC0] =	vst v44;
	v35 =	vld.idx.msk [tilespmem:v45+s13+$0x0], $0xffff  }
0x22d: {  	[tilespmem:s24+$0xFFFFFFE0] =	vst v29;
	v49 =	vld.idx.msk [tilespmem:v46+s13+$0x0], $0xffff  }
0x22e: {  	v29 =	vld.idx.msk [tilespmem:v48+s13+$0x0], $0xffff  }
0x22f: {  	[tilespmem:s24+$0x60] =	vst v53;
	v50 =	vld.idx.msk [tilespmem:v37+s4+$0x0], $0xffff  }
0x230: {  	v31 =	vld.idx.msk [tilespmem:v47+s13+$0x0], $0xffff  }
0x231: {  	v53 =	vld.idx.msk [tilespmem:v34+s4+$0x0], $0xffff  }
0x232: {  	v51 =	vld.idx.msk [tilespmem:v39+s4+$0x0], $0xffff  }
0x233: {  	v52 =	vld.idx.msk [tilespmem:v40+s4+$0x0], $0xffff  }
0x234: {  	v54 =	vld.idx.msk [tilespmem:v35+s4+$0x0], $0xffff  }
0x235: {  	[tilespmem:s25+$0x50] =	vst v50;
	v55 =	vld.idx.msk [tilespmem:v49+s4+$0x0], $0xffff  }
0x236: {  	v37 =	vld.idx.msk [tilespmem:v37+s11+$0x0], $0xffff;
	[tilespmem:s1+$0xFFFFFFD0] =	vst v53  }
0x237: {  	v56 =	vadd.s32 s28, v26;
	v34 =	vld.idx.msk [tilespmem:v34+s11+$0x0], $0xffff;
	[tilespmem:s25+$0xFFFFFFD0] =	vst v51  }
0x238: {  	v59 =	vadd.s32 s3, v26;
	[tilespmem:s1+$0x50] =	vst v52;
	v39 =	vld.idx.msk [tilespmem:v39+s11+$0x0], $0xffff  }
0x239: {  	v40 =	vld.idx.msk [tilespmem:v40+s11+$0x0], $0xffff;
	v57 =	vadd.s32 s29, v26;
	[tilespmem:s12+$0x50] =	vst v54  }
0x23a: {  	v58 =	vadd.s32 s5, v26;
	[tilespmem:s12+$0xFFFFFFD0] =	vst v55;
	v35 =	vld.idx.msk [tilespmem:v35+s11+$0x0], $0xffff  }
0x23b: {  	v60 =	vadd.s32 s18, v26;
	[tilespmem:s26+$0x50] =	vst v37;
	v30 =	vld.idx.msk [tilespmem:v49+s11+$0x0], $0xffff  }
0x23c: {  	v33 =	vld.idx.msk [tilespmem:v56+s13+$0x0], $0xffff;
	v61 =	vadd.s32 s2, v26;
	[tilespmem:s22+$0xFFFFFFD0] =	vst v34  }
0x23d: {  	v34 =	vld.idx.msk [tilespmem:v59+s13+$0x0], $0xffff;
	[tilespmem:s26+$0xFFFFFFD0] =	vst v39  }
0x23e: {  	[tilespmem:s22+$0x50] =	vst v40;
	v36 =	vld.idx.msk [tilespmem:v57+s13+$0x0], $0xffff  }
0x23f: {  	v38 =	vld.idx.msk [tilespmem:v58+s13+$0x0], $0xffff;
	[tilespmem:s0+$0x50] =	vst v35  }
0x240: {  	[tilespmem:s0+$0xFFFFFFD0] =	vst v30;
	v32 =	vld.idx.msk [tilespmem:v60+s13+$0x0], $0xffff  }
0x241: {  	v30 =	vld.idx.msk [tilespmem:v61+s13+$0x0], $0xffff  }
0x242: {  	v63 =	vld.idx.msk [tilespmem:v29+s4+$0x0], $0xffff  }
0x243: {  	v62 =	vld.idx.msk [tilespmem:v31+s4+$0x0], $0xffff  }
0x244: {  	v45 =	vld.idx.msk [tilespmem:v33+s4+$0x0], $0xffff  }
0x245: {  	v48 =	vld.idx.msk [tilespmem:v34+s4+$0x0], $0xffff  }
0x246: {  	v46 =	vld.idx.msk [tilespmem:v36+s4+$0x0], $0xffff  }
0x247: {  	v47 =	vld.idx.msk [tilespmem:v38+s4+$0x0], $0xffff  }
0x248: {  	v43 =	vld.idx.msk [tilespmem:v32+s4+$0x0], $0xffff  }
0x249: {  	[tilespmem:s25+$0x60] =	vst v45;
	v49 =	vld.idx.msk [tilespmem:v30+s4+$0x0], $0xffff  }
0x24a: {  	[tilespmem:s1+$0xFFFFFFE0] =	vst v48;
	v33 =	vld.idx.msk [tilespmem:v33+s11+$0x0], $0xffff  }
0x24b: {  	v50 =	vadd.s32 s28, v27;
	v34 =	vld.idx.msk [tilespmem:v34+s11+$0x0], $0xffff;
	[tilespmem:s25+$0xFFFFFFE0] =	vst v46  }
0x24c: {  	v53 =	vadd.s32 s3, v27;
	[tilespmem:s1+$0x60] =	vst v47;
	v36 =	vld.idx.msk [tilespmem:v36+s11+$0x0], $0xffff  }
0x24d: {  	v51 =	vadd.s32 s29, v27;
	v38 =	vld.idx.msk [tilespmem:v38+s11+$0x0], $0xffff;
	[tilespmem:s12+$0x60] =	vst v43  }
0x24e: {  	v52 =	vadd.s32 s5, v27;
	[tilespmem:s12+$0xFFFFFFE0] =	vst v49;
	v32 =	vld.idx.msk [tilespmem:v32+s11+$0x0], $0xffff  }
0x24f: {  	[tilespmem:s26+$0x60] =	vst v33;
	v54 =	vadd.s32 s18, v27;
	v30 =	vld.idx.msk [tilespmem:v30+s11+$0x0], $0xffff  }
0x250: {  	[tilespmem:s22+$0xFFFFFFE0] =	vst v34;
	v56 =	vld.idx.msk [tilespmem:v50+s13+$0x0], $0xffff;
	v55 =	vadd.s32 s2, v27  }
0x251: {  	v34 =	vld.idx.msk [tilespmem:v53+s13+$0x0], $0xffff;
	[tilespmem:s26+$0xFFFFFFE0] =	vst v36  }
0x252: {  	[tilespmem:s22+$0x60] =	vst v38;
	v57 =	vld.idx.msk [tilespmem:v51+s13+$0x0], $0xffff  }
0x253: {  	v38 =	vld.idx.msk [tilespmem:v52+s13+$0x0], $0xffff;
	[tilespmem:s0+$0x60] =	vst v32  }
0x254: {  	[tilespmem:s0+$0xFFFFFFE0] =	vst v30;
	v32 =	vld.idx.msk [tilespmem:v54+s13+$0x0], $0xffff  }
0x255: {  	[tilespmem:s23+$0xFFFFFFF0] =	vst v63;
	v30 =	vld.idx.msk [tilespmem:v55+s13+$0x0], $0xffff  }
0x256: {  	v29 =	vld.idx.msk [tilespmem:v29+s11+$0x0], $0xffff;
	[tilespmem:s23+$0x70] =	vst v62  }
0x257: {  	v31 =	vld.idx.msk [tilespmem:v31+s11+$0x0], $0xffff  }
0x258: {  	v58 =	vld.idx.msk [tilespmem:v56+s4+$0x0], $0xffff  }
0x259: {  	v60 =	vld.idx.msk [tilespmem:v34+s4+$0x0], $0xffff  }
0x25a: {  	[tilespmem:s21+$0xFFFFFFF0] =	vst v28;
	v59 =	vld.idx.msk [tilespmem:v57+s4+$0x0], $0xffff  }
0x25b: {  	[tilespmem:s24+$0xFFFFFFF0] =	vst v29;
	v28 =	vld.idx.msk [tilespmem:v38+s4+$0x0], $0xffff  }
0x25c: {  	[tilespmem:s24+$0x70] =	vst v31;
	v29 =	vld.idx.msk [tilespmem:v32+s4+$0x0], $0xffff  }
0x25d: {  	[tilespmem:s25+$0x70] =	vst v58;
	v61 =	vld.idx.msk [tilespmem:v30+s4+$0x0], $0xffff  }
0x25e: {  	[tilespmem:s1+$0xFFFFFFF0] =	vst v60;
	v62 =	vld.idx.msk [tilespmem:v56+s11+$0x0], $0xffff  }
0x25f: {  	v31 =	vld.idx.msk [tilespmem:v34+s11+$0x0], $0xffff;
	[tilespmem:s25+$0xFFFFFFF0] =	vst v59  }
0x260: {  	[tilespmem:s1+$0x70] =	vst v28;
	v63 =	vld.idx.msk [tilespmem:v57+s11+$0x0], $0xffff  }
0x261: {  	v28 =	vld.idx.msk [tilespmem:v38+s11+$0x0], $0xffff;
	[tilespmem:s12+$0x70] =	vst v29  }
0x262: {  	[tilespmem:s12+$0xFFFFFFF0] =	vst v61;
	v29 =	vld.idx.msk [tilespmem:v32+s11+$0x0], $0xffff  }
0x263: {  	[tilespmem:s26+$0x70] =	vst v62;
	v30 =	vld.idx.msk [tilespmem:v30+s11+$0x0], $0xffff  }
0x264: {  	[tilespmem:s22+$0xFFFFFFF0] =	vst v31  }
0x265: {  	[tilespmem:s26+$0xFFFFFFF0] =	vst v63  }
0x266: {  	[tilespmem:s22+$0x70] =	vst v28  }
0x267: {  	[tilespmem:s0+$0x70] =	vst v29  }
0x268: {  	s30 =	sadd.s32 s6, s20;
	[tilespmem:s0+$0xFFFFFFF0] =	vst v30  }
0x269: {  	[hbm4b:s30+s14] =	stream.strided.scatter [tilespmem:s16], [sflag:$0x1], $0x6400, s15, s14, $0x38;
	[tilespmem:$0x1AE80] =	vst v63  }
0x26a: {  	s19 =	sadd.s32 $0x1, s19;
	_ =	swait.ge [sflag:s10], $0x6400  }
0x26b: {  	p0 =	sne.s32 s19, $0x4;
	[sflag:s10] =	ssyncset.done $0x0  }
.Ltmp4:
0x26c: {  	s31 =	sadd.s32 s7, s20;
	[sflag:s10] =	ssyncadd.s32 $0xFFFF9C00;
	(pc) =	sbr.rel @p0 .LBB2_6-.Ltmp4, $4  }
0x26d: {  	[hbm4b:s31+s14] =	stream.strided.scatter [tilespmem:s17], [sflag:$0x1], $0x6400, s15, s14, $0x38;
	[tilespmem:$0x1AE80] =	vst v63  }
0x26e: {  	_ =	swait.ge [sflag:s10], $0x6400  }
0x26f: {  	[sflag:s10] =	ssyncset.done $0x0  }
0x270: {  	[sflag:s10] =	ssyncadd.s32 $0xFFFF9C00  }
0x271: {  	s1 =	rddreg [dreg:$0x6]  }
0x272: {  	s0 =	rddreg [dreg:$0x5];
	s1 =	sadd.s32 $0x1, s1  }
0x273: {  	p0 =	sne.s32 s1, s0  }
.Ltmp5:
0x274: {  	_ = 	snop;
	(pc) =	sbr.rel @p0 .LBB2_1-.Ltmp5, $1  }
0x275: {  	_ =	sdelay $0x3  }
0x276: {  	_ =	sfence.sel $0x180000  }
0x277: {  	[bflag:$0x0] =	sbarrier.arrive $0xFFFF  }
0x278: {  	_ =	strace $0x90000047  }
0x279: {  	s0 =	stileid.u32;
	[bflag:$0x2] =	sbarrier.arrive $0xFFFF  }
0x27a: {  	p0 =	sne.s32 s0, $0x0;
	s0 =	rddreg [dreg:$0x4]  }
0x27b: {  	s0 =	sadd.s32 @!p0 $0x100000, s0  }
0x27c: {  	[sflag:s0] =	ssyncadd.tile.s32 @!p0 $0x1;
	_ =	shalt  }
.Lfunc_end2:
_tile_overlayer_lowered:
.L_overlay_start_2:
0x27d: {  	(tag) =	ssettag $0x2  }
0x27e: {  	s0 =	rddreg [dreg:$0x0];
	s2 =	stileid.u32  }
0x27f: {  	s1 =	rddreg [dreg:$0x1];
	p0 =	sne.s32 s2, $0x0  }
0x280: {  	s3 =	rddreg [dreg:$0x2];
	[bflag:$0x3] =	sbarrier.arrive $0xFFFF;
	s2 =	simm.s32 @!p0 $0x1C01  }
0x281: {  	[timem:s3], [sflag:s2] =	dma.local @!p0 [hbm:s0], s1  }
0x282: {  	s0 =	simm.s32 @!p0 $0x1  }
0x283: {  	_ =	swait.ge @!p0 [sflag:s0], s1  }
0x284: {  	s1 =	ssub.s32 @!p0 $0x0, s1;
	[sflag:s0] =	ssyncset.done @!p0 $0x0  }
0x285: {  	[sflag:s0] =	ssyncadd.s32 @!p0 s1  }
0x286: {  	[bflag:$0x3] =	sbarrier.arrive $0xFFFF  }
0x287: {  	_ =	shalt  }

</sc_bundles>
